<compile_context>
chip_gen: v7x
topology: tpu7x:2x2x1
jax: 0.10.2.dev20260603
libtpu: 0.0.44.dev20260713+nightly
codegen_flags: <defaults>
</compile_context>

<pallas_src>
import functools

import jax
import jax.numpy as jnp
from jax import lax
from jax.experimental import pallas as pl
from jax.experimental.pallas import tpu as pltpu
from jax.experimental.pallas import tpu_sc as plsc

N_NODES = 10000
N_EDGES = 320000
IN_FEATS = 128
OUT_FEATS = 128
NUM_HEADS = 4
HD = NUM_HEADS * OUT_FEATS
NEG_SLOPE = 0.2

NC = 2
NS = 16
NW = NC * NS
EPT = N_EDGES // NW
NPAD = 10240
RPT = NPAD // NS

CH2 = 1000
CH3 = 40

_mesh = plsc.VectorSubcoreMesh(
    core_axis_name="c", subcore_axis_name="s", num_cores=NC, num_subcores=NS)


def _k1_body(feat_ref, w_ref, alr_ref, h_ref, elr_ref, mx_ref):
    h = jnp.dot(feat_ref[...], w_ref[...], preferred_element_type=jnp.float32)
    h_ref[...] = h
    elr = jnp.dot(h, alr_ref[...], preferred_element_type=jnp.float32)
    elr_ref[...] = elr
    bm = jnp.concatenate(
        [jnp.max(elr, axis=0, keepdims=True),
         jnp.zeros((1, 128 - 2 * NUM_HEADS), jnp.float32)], axis=1)

    @pl.when(pl.program_id(0) == 0)
    def _():
        mx_ref[...] = bm

    @pl.when(pl.program_id(0) != 0)
    def _():
        mx_ref[...] = jnp.maximum(mx_ref[...], bm)


def _k1(feat, W, ALR):
    blk = 1000
    grid = N_NODES // blk
    return pl.pallas_call(
        _k1_body,
        grid=(grid,),
        in_specs=[
            pl.BlockSpec((blk, IN_FEATS), lambda i: (i, 0)),
            pl.BlockSpec((IN_FEATS, HD), lambda i: (0, 0)),
            pl.BlockSpec((HD, 2 * NUM_HEADS), lambda i: (0, 0)),
        ],
        out_specs=[
            pl.BlockSpec((blk, HD), lambda i: (i, 0)),
            pl.BlockSpec((blk, 2 * NUM_HEADS), lambda i: (i, 0)),
            pl.BlockSpec((1, 128), lambda i: (0, 0)),
        ],
        out_shape=[
            jax.ShapeDtypeStruct((N_NODES, HD), jnp.float32),
            jax.ShapeDtypeStruct((N_NODES, 2 * NUM_HEADS), jnp.float32),
            jax.ShapeDtypeStruct((1, 128), jnp.float32),
        ],
    )(feat, W, ALR)


@functools.partial(
    pl.kernel,
    out_type=(
        jax.ShapeDtypeStruct((N_EDGES * NUM_HEADS,), jnp.float32),
        jax.ShapeDtypeStruct((NW, NPAD * NUM_HEADS), jnp.float32),
    ),
    mesh=_mesh,
    compiler_params=pltpu.CompilerParams(needs_layout_passes=False),
    scratch_types=[
        pltpu.VMEM((N_NODES * 2 * NUM_HEADS,), jnp.float32),
        pltpu.VMEM((128,), jnp.float32),
        pltpu.VMEM((CH2,), jnp.int32),
        pltpu.VMEM((CH2,), jnp.int32),
        pltpu.VMEM((CH2 * NUM_HEADS,), jnp.float32),
        pltpu.VMEM((NPAD * NUM_HEADS,), jnp.float32),
        pltpu.SemaphoreType.DMA,
    ],
)
def _k2(src_hbm, dst_hbm, elr_hbm, mx_hbm,
        eexp_hbm, den_hbm, elr_v, mx_v, src_v, dst_v, ee_v, den_v, sem):
    cid = lax.axis_index("c")
    sid = lax.axis_index("s")
    wid = sid * NC + cid
    pltpu.sync_copy(elr_hbm, elr_v)
    pltpu.sync_copy(mx_hbm, mx_v)

    lane = lax.iota(jnp.int32, 16)
    head = lane & 3
    eoff0 = lane >> 2
    z16 = jnp.zeros((16,), jnp.float32)

    def zer(i, c):
        den_v[pl.ds(i * 16, 16)] = z16
        return c

    lax.fori_loop(0, NPAD * NUM_HEADS // 16, zer, 0)

    mxl = plsc.load_gather(mx_v, [head])
    mxr = plsc.load_gather(mx_v, [head + NUM_HEADS])
    p = mxl + mxr
    cmax = jnp.where(p >= 0, p, NEG_SLOPE * p)
    masks = [eoff0 == i for i in range(4)]
    ebase = wid * EPT

    def chunk(k, carry):
        base = pl.multiple_of(ebase + k * CH2, 8)
        pltpu.sync_copy(src_hbm.at[pl.ds(base, CH2)], src_v)
        pltpu.sync_copy(dst_hbm.at[pl.ds(base, CH2)], dst_v)

        def grp(g, c2):
            eo = g * 4 + eoff0
            sg = plsc.load_gather(src_v, [eo])
            dg = plsc.load_gather(dst_v, [eo])
            elg = plsc.load_gather(elr_v, [sg * (2 * NUM_HEADS) + head])
            erg = plsc.load_gather(elr_v,
                                   [dg * (2 * NUM_HEADS) + NUM_HEADS + head])
            pre = elg + erg
            e = jnp.where(pre >= 0, pre, NEG_SLOPE * pre)
            ee = jnp.exp(e - cmax)
            ee_v[pl.ds(g * 16, 16)] = ee
            didx = dg * NUM_HEADS + head
            for m in masks:
                plsc.addupdate_scatter(den_v, [didx], ee, mask=m)
            return c2

        lax.fori_loop(0, CH2 // 4, grp, 0)
        pltpu.sync_copy(
            ee_v, eexp_hbm.at[pl.ds(pl.multiple_of(base * NUM_HEADS, 8), CH2 * NUM_HEADS)])
        return carry

    lax.fori_loop(0, EPT // CH2, chunk, 0)
    pltpu.sync_copy(den_v, den_hbm.at[wid])


def _k2b_body(d_ref, r_ref):
    r_ref[...] = 1.0 / jnp.sum(d_ref[...], axis=0)


def _k2b(denp):
    return pl.pallas_call(
        _k2b_body,
        out_shape=jax.ShapeDtypeStruct((NPAD * NUM_HEADS // 128, 128),
                                       jnp.float32),
    )(denp)


@functools.partial(
    pl.kernel,
    out_type=jax.ShapeDtypeStruct((N_EDGES * NUM_HEADS,), jnp.float32),
    mesh=_mesh,
    compiler_params=pltpu.CompilerParams(needs_layout_passes=False),
    scratch_types=[
        pltpu.VMEM((NPAD * NUM_HEADS,), jnp.float32),
        pltpu.VMEM((CH2,), jnp.int32),
        pltpu.VMEM((CH2 * NUM_HEADS,), jnp.float32),
        pltpu.VMEM((CH2 * NUM_HEADS,), jnp.float32),
        pltpu.SemaphoreType.DMA,
    ],
)
def _k2c(dst_hbm, eexp_hbm, rden_hbm, alpha_hbm,
         rden_v, dst_v, ee_v, al_v, sem):
    cid = lax.axis_index("c")
    sid = lax.axis_index("s")
    wid = sid * NC + cid
    pltpu.sync_copy(rden_hbm, rden_v)
    lane = lax.iota(jnp.int32, 16)
    head = lane & 3
    eoff0 = lane >> 2
    ebase = wid * EPT

    def chunk(k, carry):
        base = pl.multiple_of(ebase + k * CH2, 8)
        pltpu.sync_copy(dst_hbm.at[pl.ds(base, CH2)], dst_v)
        pltpu.sync_copy(
            eexp_hbm.at[pl.ds(pl.multiple_of(base * NUM_HEADS, 8), CH2 * NUM_HEADS)], ee_v)

        def grp(g, c2):
            eo = g * 4 + eoff0
            dg = plsc.load_gather(dst_v, [eo])
            rg = plsc.load_gather(rden_v, [dg * NUM_HEADS + head])
            al_v[pl.ds(g * 16, 16)] = ee_v[pl.ds(g * 16, 16)] * rg
            return c2

        lax.fori_loop(0, CH2 // 4, grp, 0)
        pltpu.sync_copy(
            al_v, alpha_hbm.at[pl.ds(pl.multiple_of(base * NUM_HEADS, 8), CH2 * NUM_HEADS)])
        return carry

    lax.fori_loop(0, EPT // CH2, chunk, 0)


BE = 80
NCH = BE // CH3
NBLK = EPT // BE


@functools.partial(
    pl.kernel,
    out_type=jax.ShapeDtypeStruct((NC, NPAD, OUT_FEATS), jnp.float32),
    mesh=_mesh,
    compiler_params=pltpu.CompilerParams(needs_layout_passes=False),
    scratch_types=[
        pltpu.VMEM((BE,), jnp.int32),
        pltpu.VMEM((NCH, CH3), jnp.int32),
        pltpu.VMEM((BE * NUM_HEADS + 16,), jnp.float32),
        pltpu.VMEM((CH3, HD), jnp.float32),
        pltpu.VMEM((CH3, HD), jnp.float32),
        pltpu.VMEM((CH3, OUT_FEATS), jnp.float32),
        pltpu.VMEM_SHARED((NPAD, OUT_FEATS), jnp.float32),
        pltpu.SemaphoreType.DMA,
        pltpu.SemaphoreType.DMA,
    ],
)
def _k3(src_hbm, dst2_hbm, alpha_hbm, h_hbm, z128_hbm, acc_hbm,
        src_v, dst_v, al_v, hbuf0, hbuf1, msg_v, acc_sp, sem0, sem1):
    cid = lax.axis_index("c")
    sid = lax.axis_index("s")
    wid = sid * NC + cid
    pltpu.sync_copy(z128_hbm.at[pl.ds(sid * RPT, RPT)],
                    acc_sp.at[pl.ds(sid * RPT, RPT)])
    plsc.subcore_barrier()
    ebase = wid * EPT

    def start(jj, buf, sem):
        idx = src_v.at[pl.ds(pl.multiple_of(jj * CH3, 8), CH3)]
        pltpu.async_copy(h_hbm.at[idx], buf, sem)

    def wait(buf, sem):
        idx = src_v.at[pl.ds(0, CH3)]
        pltpu.make_async_copy(h_hbm.at[idx], buf, sem).wait()

    def do_chunk(jj, buf):
        def edge(eC, c2):
            eL = jj * CH3 + eC
            av = al_v[pl.ds(eL * NUM_HEADS, 16)]
            a0 = av[0]
            a1 = av[1]
            a2 = av[2]
            a3 = av[3]
            for cc in range(OUT_FEATS // 16):
                off = cc * 16
                v = (a0 * buf[eC, pl.ds(off, 16)]
                     + a1 * buf[eC, pl.ds(128 + off, 16)]
                     + a2 * buf[eC, pl.ds(256 + off, 16)]
                     + a3 * buf[eC, pl.ds(384 + off, 16)])
                msg_v[eC, pl.ds(off, 16)] = v
            return c2

        lax.fori_loop(0, CH3, edge, 0)
        pltpu.sync_copy(msg_v, acc_sp.at[dst_v.at[jj]], add=True)

    def block(b, carry):
        bb = pl.multiple_of(ebase + b * BE, 8)
        pltpu.sync_copy(src_hbm.at[pl.ds(bb, BE)], src_v)
        pltpu.sync_copy(dst2_hbm.at[wid * NBLK + b], dst_v)
        pltpu.sync_copy(
            alpha_hbm.at[pl.ds(pl.multiple_of(bb * NUM_HEADS, 8),
                               BE * NUM_HEADS)],
            al_v.at[pl.ds(0, BE * NUM_HEADS)])
        start(0, hbuf0, sem0)

        def pair(p, c2):
            j0 = p * 2
            wait(hbuf0, sem0)
            start(j0 + 1, hbuf1, sem1)
            do_chunk(j0, hbuf0)
            wait(hbuf1, sem1)

            @pl.when(p < NCH // 2 - 1)
            def _():
                start(j0 + 2, hbuf0, sem0)

            do_chunk(j0 + 1, hbuf1)
            return c2

        lax.fori_loop(0, NCH // 2, pair, 0)
        return carry

    lax.fori_loop(0, NBLK, block, 0)
    plsc.subcore_barrier()

    @pl.when(sid == 0)
    def _():
        pltpu.sync_copy(acc_sp, acc_hbm.at[cid])


def _k4_body(a0_ref, a1_ref, b_ref, o_ref):
    bm = jnp.mean(b_ref[...], axis=0, keepdims=True)
    o_ref[...] = 0.25 * (a0_ref[...] + a1_ref[...]) + bm


def _k4(acc0, acc1, bias_hw):
    blk = 1000
    grid = N_NODES // blk
    return pl.pallas_call(
        _k4_body,
        grid=(grid,),
        in_specs=[
            pl.BlockSpec((blk, OUT_FEATS), lambda i: (i, 0)),
            pl.BlockSpec((blk, OUT_FEATS), lambda i: (i, 0)),
            pl.BlockSpec((NUM_HEADS, OUT_FEATS), lambda i: (0, 0)),
        ],
        out_specs=pl.BlockSpec((blk, OUT_FEATS), lambda i: (i, 0)),
        out_shape=jax.ShapeDtypeStruct((N_NODES, OUT_FEATS), jnp.float32),
    )(acc0, acc1, bias_hw)


def kernel(feat, edge_index, W, attn_l, attn_r, bias):
    src = edge_index[0]
    dst = edge_index[1]
    al = attn_l.reshape(NUM_HEADS, OUT_FEATS)
    ar = attn_r.reshape(NUM_HEADS, OUT_FEATS)
    eye = jnp.eye(NUM_HEADS, dtype=jnp.float32)
    alr_l = (eye[:, None, :] * al[:, :, None]).reshape(HD, NUM_HEADS)
    alr_r = (eye[:, None, :] * ar[:, :, None]).reshape(HD, NUM_HEADS)
    ALR = jnp.concatenate([alr_l, alr_r], axis=1)

    h, elr, mx = _k1(feat, W, ALR)

    eexp, denp = _k2(src, dst, elr.reshape(-1), mx.reshape(-1))

    rden = _k2b(denp.reshape(NW, NPAD * NUM_HEADS // 128, 128))

    alpha = _k2c(dst, eexp, rden.reshape(-1))

    z128 = jnp.zeros((NPAD, OUT_FEATS), jnp.float32)
    accp = _k3(src, dst.reshape(NW * NBLK, NCH, CH3), alpha, h, z128)

    h_out = _k4(accp[0], accp[1], bias.reshape(NUM_HEADS, OUT_FEATS))
    return h_out, alpha.reshape(N_EDGES, NUM_HEADS, 1)

# --- scband reference (transcript-rebuilt; emitter-appended) ---
"""Pipeline reference for scband-averaged-gatconv-21612275434308 (READ-ONLY COPY).

The authoritative reference and input builder live on the scoring server;
editing this copy changes nothing except your own understanding.
"""

import jax, jax.numpy as jnp
import numpy as np

N_NODES = 10000
N_EDGES = 320000
IN_FEATS = 128
OUT_FEATS = 128
NUM_HEADS = 4
NEG_SLOPE = 0.2


def setup_inputs(seed: int = 0) -> dict:
    key = jax.random.key(seed)
    k1, k2, k3, k4, k5 = jax.random.split(key, 5)
    feat = jax.random.normal(k1, (N_NODES, IN_FEATS), dtype=jnp.float32)
    edge_index = jax.random.randint(k2, (2, N_EDGES), 0, N_NODES, dtype=jnp.int32)
    W = jax.random.normal(k3, (IN_FEATS, NUM_HEADS * OUT_FEATS), dtype=jnp.float32) * (1.0 / np.sqrt(IN_FEATS))
    attn_l = jax.random.normal(k4, (1, NUM_HEADS, OUT_FEATS), dtype=jnp.float32) * 0.1
    attn_r = jax.random.normal(k5, (1, NUM_HEADS, OUT_FEATS), dtype=jnp.float32) * 0.1
    bias = jnp.zeros((NUM_HEADS * OUT_FEATS,), dtype=jnp.float32)
    return {"feat": feat, "edge_index": edge_index, "W": W, "attn_l": attn_l, "attn_r": attn_r, "bias": bias}


def _gat_forward(feat, W, attn_l, attn_r, bias, src, dst):
    N = feat.shape[0]
    # fc projection: [N, H*D] -> [N, H, D]
    h = (feat @ W).reshape(N, NUM_HEADS, OUT_FEATS)
    # per-node attention logits
    el = jnp.sum(h * attn_l, axis=-1)  # [N, H]
    er = jnp.sum(h * attn_r, axis=-1)  # [N, H]
    # edge logits with leaky relu
    e = el[src] + er[dst]  # [E, H]
    e = jnp.where(e >= 0, e, NEG_SLOPE * e)
    # edge softmax grouped by dst node
    emax = jnp.full((N, NUM_HEADS), -1e30, dtype=e.dtype).at[dst].max(e)
    eexp = jnp.exp(e - emax[dst])
    denom = jnp.zeros((N, NUM_HEADS), dtype=e.dtype).at[dst].add(eexp)
    alpha = eexp / denom[dst]  # [E, H]
    # message passing: weighted sum of source features into dst
    msg = h[src] * alpha[:, :, None]  # [E, H, D]
    rst = jnp.zeros((N, NUM_HEADS, OUT_FEATS), dtype=h.dtype).at[dst].add(msg)
    rst = rst + bias.reshape(1, NUM_HEADS, OUT_FEATS)
    attn = alpha[:, :, None]  # [E, H, 1]
    # wrapper: view [N, H, D] then mean over heads
    h_out = rst.reshape(N, NUM_HEADS, OUT_FEATS).mean(axis=1)  # [N, D]
    return h_out, attn


def reference(feat, edge_index, W, attn_l, attn_r, bias):
    src = edge_index[0]
    dst = edge_index[1]
    return _gat_forward(feat, W, attn_l, attn_r, bias, src, dst)

if __name__ == "__main__":
    import jax
    _d = setup_inputs()
    print(jax.jit(kernel)(*tuple(_d.values())))

</pallas_src>

<mosaic_0001>
#map = affine_map<(d0, d1) -> (0)>
module attributes {stable_mosaic.version = 14 : i64} {
  func.func @_k2c(%arg0: i32, %arg1: i32, %arg2: memref<320000xi32, #tpu.memory_space<hbm>>, %arg3: memref<1280000xf32, #tpu.memory_space<hbm>>, %arg4: memref<40960xf32, #tpu.memory_space<hbm>>, %arg5: memref<1280000xf32, #tpu.memory_space<hbm>>, %arg6: memref<40960xf32, #tpu.memory_space<vmem>>, %arg7: memref<1000xi32, #tpu.memory_space<vmem>>, %arg8: memref<4000xf32, #tpu.memory_space<vmem>>, %arg9: memref<4000xf32, #tpu.memory_space<vmem>>, %arg10: memref<!tpu.dma_semaphore, #tpu.memory_space<semaphore_mem>>) attributes {dimension_semantics = [#tpu.dimension_semantics<core_parallel>, #tpu.dimension_semantics<subcore_parallel>], iteration_bounds = array<i64: 2, 16>, scalar_prefetch = 0 : i64, scratch_operands = 5 : i64, tpu.core_type = #tpu.core_type<sc_vector_subcore>, window_params = [{transform_indices = #map}, {transform_indices = #map}, {transform_indices = #map}, {transform_indices = #map}]} {
    %mul3A = arith.constant 2 : i32
    %mul3A_0 = arith.muli %arg1, %mul3A : i32
    %add3A = arith.addi %mul3A_0, %arg0 : i32
    "tpu.region"() ({
      %run_scoped3A = tpu.sem_alloc : memref<!tpu.dma_semaphore, #tpu.memory_space<semaphore_mem>>
      tpu.enqueue_dma source(%arg4 : memref<40960xf32, #tpu.memory_space<hbm>>) target(%arg6 : memref<40960xf32, #tpu.memory_space<vmem>>) target_semaphore(%run_scoped3A : memref<!tpu.dma_semaphore, #tpu.memory_space<semaphore_mem>>)
      tpu.wait_dma2 semaphore(%run_scoped3A : memref<!tpu.dma_semaphore, #tpu.memory_space<semaphore_mem>>) src(%arg4 : memref<40960xf32, #tpu.memory_space<hbm>>) dst(%arg6 : memref<40960xf32, #tpu.memory_space<vmem>>)
      tpu.yield
    }) : () -> ()
    %iota3A = tpu.iota {dimensions = array<i32: 0>} : vector<16xi32>
    %and3A = arith.constant 3 : i32
    %and3A_1 = vector.broadcast %and3A : i32 to vector<16xi32>
    %and3A_2 = arith.andi %iota3A, %and3A_1 : vector<16xi32>
    %shift_right_arithmetic3A = arith.constant 2 : i32
    %shift_right_arithmetic3A_3 = vector.broadcast %shift_right_arithmetic3A : i32 to vector<16xi32>
    %shift_right_arithmetic3A_4 = arith.shrsi %iota3A, %shift_right_arithmetic3A_3 : vector<16xi32>
    %mul3A_5 = arith.constant 10000 : i32
    %mul3A_6 = arith.muli %add3A, %mul3A_5 : i32
    %scan3A = arith.constant 0 : i32
    %scan3A_7 = arith.constant 0 : i32
    %scan3A_8 = arith.constant 10 : i32
    %scan3A_9 = arith.addi %scan3A_7, %scan3A_8 : i32
    %scan3A_10 = arith.constant 1 : i32
    scf.for %scan3A_12 = %scan3A_7 to %scan3A_9 step %scan3A_10  : i32 {
      %mul3A_13 = arith.constant 1000 : i32
      %mul3A_14 = arith.muli %scan3A_12, %mul3A_13 : i32
      %add3A_15 = arith.addi %mul3A_6, %mul3A_14 : i32
      %multiple_of3A = tpu.assume_multiple %add3A_15, 8 : i32
      "tpu.region"() ({
        %run_scoped3A = tpu.sem_alloc : memref<!tpu.dma_semaphore, #tpu.memory_space<semaphore_mem>>
        %dma_start3A = tpu.memref_slice %arg2[%multiple_of3A] : memref<320000xi32, #tpu.memory_space<hbm>> -> memref<1000xi32, #tpu.memory_space<hbm>>
        %dma_start3A_28 = tpu.memref_slice %arg2[%multiple_of3A] : memref<320000xi32, #tpu.memory_space<hbm>> -> memref<1000xi32, #tpu.memory_space<hbm>>
        tpu.enqueue_dma source(%dma_start3A_28 : memref<1000xi32, #tpu.memory_space<hbm>>) target(%arg7 : memref<1000xi32, #tpu.memory_space<vmem>>) target_semaphore(%run_scoped3A : memref<!tpu.dma_semaphore, #tpu.memory_space<semaphore_mem>>)
        %dma_wait3A = tpu.memref_slice %arg2[%multiple_of3A] : memref<320000xi32, #tpu.memory_space<hbm>> -> memref<1000xi32, #tpu.memory_space<hbm>>
        %dma_wait3A_29 = tpu.memref_slice %arg2[%multiple_of3A] : memref<320000xi32, #tpu.memory_space<hbm>> -> memref<1000xi32, #tpu.memory_space<hbm>>
        tpu.wait_dma2 semaphore(%run_scoped3A : memref<!tpu.dma_semaphore, #tpu.memory_space<semaphore_mem>>) src(%dma_wait3A_29 : memref<1000xi32, #tpu.memory_space<hbm>>) dst(%arg7 : memref<1000xi32, #tpu.memory_space<vmem>>)
        tpu.yield
      }) : () -> ()
      %mul3A_16 = arith.constant 4 : i32
      %mul3A_17 = arith.muli %multiple_of3A, %mul3A_16 : i32
      %multiple_of3A_18 = tpu.assume_multiple %mul3A_17, 8 : i32
      "tpu.region"() ({
        %run_scoped3A = tpu.sem_alloc : memref<!tpu.dma_semaphore, #tpu.memory_space<semaphore_mem>>
        %dma_start3A = tpu.memref_slice %arg3[%multiple_of3A_18] : memref<1280000xf32, #tpu.memory_space<hbm>> -> memref<4000xf32, #tpu.memory_space<hbm>>
        %dma_start3A_28 = tpu.memref_slice %arg3[%multiple_of3A_18] : memref<1280000xf32, #tpu.memory_space<hbm>> -> memref<4000xf32, #tpu.memory_space<hbm>>
        tpu.enqueue_dma source(%dma_start3A_28 : memref<4000xf32, #tpu.memory_space<hbm>>) target(%arg8 : memref<4000xf32, #tpu.memory_space<vmem>>) target_semaphore(%run_scoped3A : memref<!tpu.dma_semaphore, #tpu.memory_space<semaphore_mem>>)
        %dma_wait3A = tpu.memref_slice %arg3[%multiple_of3A_18] : memref<1280000xf32, #tpu.memory_space<hbm>> -> memref<4000xf32, #tpu.memory_space<hbm>>
        %dma_wait3A_29 = tpu.memref_slice %arg3[%multiple_of3A_18] : memref<1280000xf32, #tpu.memory_space<hbm>> -> memref<4000xf32, #tpu.memory_space<hbm>>
        tpu.wait_dma2 semaphore(%run_scoped3A : memref<!tpu.dma_semaphore, #tpu.memory_space<semaphore_mem>>) src(%dma_wait3A_29 : memref<4000xf32, #tpu.memory_space<hbm>>) dst(%arg8 : memref<4000xf32, #tpu.memory_space<vmem>>)
        tpu.yield
      }) : () -> ()
      %scan3A_19 = arith.constant 0 : i32
      %scan3A_20 = arith.constant 0 : i32
      %scan3A_21 = arith.constant 250 : i32
      %scan3A_22 = arith.addi %scan3A_20, %scan3A_21 : i32
      %scan3A_23 = arith.constant 1 : i32
      scf.for %scan3A_28 = %scan3A_20 to %scan3A_22 step %scan3A_23  : i32 {
        %mul3A_29 = arith.constant 4 : i32
        %mul3A_30 = arith.muli %scan3A_28, %mul3A_29 : i32
        %add3A_31 = vector.broadcast %mul3A_30 : i32 to vector<16xi32>
        %add3A_32 = arith.addi %add3A_31, %shift_right_arithmetic3A_4 : vector<16xi32>
        %gather3A = tpu.vector_load_idx %arg7[%add3A_32] : memref<1000xi32, #tpu.memory_space<vmem>>[vector<16xi32>], vector<16xi32>,
        %mul3A_33 = arith.constant 4 : i32
        %mul3A_34 = vector.broadcast %mul3A_33 : i32 to vector<16xi32>
        %mul3A_35 = arith.muli %gather3A, %mul3A_34 : vector<16xi32>
        %add3A_36 = arith.addi %mul3A_35, %and3A_2 : vector<16xi32>
        %gather3A_37 = tpu.vector_load_idx %arg6[%add3A_36] : memref<40960xf32, #tpu.memory_space<vmem>>[vector<16xi32>], vector<16xf32>,
        %mul3A_38 = arith.constant 16 : i32
        %mul3A_39 = arith.muli %scan3A_28, %mul3A_38 : i32
        %get3A = arith.index_cast %mul3A_39 : i32 to index
        %get3A_40 = tpu.vector_load %arg8[%get3A] {strides = array<i32>} : memref<4000xf32, #tpu.memory_space<vmem>>, vector<16xf32>,
        %mul3A_41 = arith.mulf %get3A_40, %gather3A_37 : vector<16xf32>
        %mul3A_42 = arith.constant 16 : i32
        %mul3A_43 = arith.muli %scan3A_28, %mul3A_42 : i32
        %swap3A = arith.index_cast %mul3A_43 : i32 to index
        %swap3A_44 = tpu.vector_load %arg9[%swap3A] {strides = array<i32>} : memref<4000xf32, #tpu.memory_space<vmem>>, vector<16xf32>,
        tpu.vector_store %arg9[%swap3A], %mul3A_41 {strides = array<i32>} : memref<4000xf32, #tpu.memory_space<vmem>>, vector<16xf32>,
      }
      %scan3A_24 = arith.constant 250 : i32
      %mul3A_25 = arith.constant 4 : i32
      %mul3A_26 = arith.muli %multiple_of3A, %mul3A_25 : i32
      %multiple_of3A_27 = tpu.assume_multiple %mul3A_26, 8 : i32
      "tpu.region"() ({
        %run_scoped3A = tpu.sem_alloc : memref<!tpu.dma_semaphore, #tpu.memory_space<semaphore_mem>>
        %dma_start3A = tpu.memref_slice %arg5[%multiple_of3A_27] : memref<1280000xf32, #tpu.memory_space<hbm>> -> memref<4000xf32, #tpu.memory_space<hbm>>
        %dma_start3A_28 = tpu.memref_slice %arg5[%multiple_of3A_27] : memref<1280000xf32, #tpu.memory_space<hbm>> -> memref<4000xf32, #tpu.memory_space<hbm>>
        tpu.enqueue_dma source(%arg9 : memref<4000xf32, #tpu.memory_space<vmem>>) target(%dma_start3A_28 : memref<4000xf32, #tpu.memory_space<hbm>>) target_semaphore(%run_scoped3A : memref<!tpu.dma_semaphore, #tpu.memory_space<semaphore_mem>>)
        %dma_wait3A = tpu.memref_slice %arg5[%multiple_of3A_27] : memref<1280000xf32, #tpu.memory_space<hbm>> -> memref<4000xf32, #tpu.memory_space<hbm>>
        %dma_wait3A_29 = tpu.memref_slice %arg5[%multiple_of3A_27] : memref<1280000xf32, #tpu.memory_space<hbm>> -> memref<4000xf32, #tpu.memory_space<hbm>>
        tpu.wait_dma2 semaphore(%run_scoped3A : memref<!tpu.dma_semaphore, #tpu.memory_space<semaphore_mem>>) src(%arg9 : memref<4000xf32, #tpu.memory_space<vmem>>) dst(%dma_wait3A_29 : memref<4000xf32, #tpu.memory_space<hbm>>)
        tpu.yield
      }) : () -> ()
    }
    %scan3A_11 = arith.constant 10 : i32
    return
  }
}

#map = affine_map<(d0, d1) -> (0)>
#map1 = affine_map<(d0, d1) -> (0, 0, 0)>
#map2 = affine_map<(d0, d1) -> (0, 0)>
module attributes {stable_mosaic.version = 14 : i64} {
  func.func @_k3(%arg0: i32, %arg1: i32, %arg2: memref<320000xi32, #tpu.memory_space<hbm>>, %arg3: memref<4000x2x40xi32, #tpu.memory_space<hbm>>, %arg4: memref<1280000xf32, #tpu.memory_space<hbm>>, %arg5: memref<10000x512xf32, #tpu.memory_space<hbm>>, %arg6: memref<10240x128xf32, #tpu.memory_space<hbm>>, %arg7: memref<2x10240x128xf32, #tpu.memory_space<hbm>>, %arg8: memref<80xi32, #tpu.memory_space<vmem>>, %arg9: memref<2x40xi32, #tpu.memory_space<vmem>>, %arg10: memref<336xf32, #tpu.memory_space<vmem>>, %arg11: memref<40x512xf32, #tpu.memory_space<vmem>>, %arg12: memref<40x512xf32, #tpu.memory_space<vmem>>, %arg13: memref<40x128xf32, #tpu.memory_space<vmem>>, %arg14: memref<10240x128xf32, #tpu.memory_space<vmem_shared>>, %arg15: memref<!tpu.dma_semaphore, #tpu.memory_space<semaphore_mem>>, %arg16: memref<!tpu.dma_semaphore, #tpu.memory_space<semaphore_mem>>) attributes {dimension_semantics = [#tpu.dimension_semantics<core_parallel>, #tpu.dimension_semantics<subcore_parallel>], iteration_bounds = array<i64: 2, 16>, scalar_prefetch = 0 : i64, scratch_operands = 9 : i64, tpu.core_type = #tpu.core_type<sc_vector_subcore>, window_params = [{transform_indices = #map}, {transform_indices = #map1}, {transform_indices = #map}, {transform_indices = #map2}, {transform_indices = #map2}, {transform_indices = #map1}]} {
    %mul3A = arith.constant 2 : i32
    %mul3A_0 = arith.muli %arg1, %mul3A : i32
    %add3A = arith.addi %mul3A_0, %arg0 : i32
    %mul3A_1 = arith.constant 640 : i32
    %mul3A_2 = arith.muli %arg1, %mul3A_1 : i32
    %mul3A_3 = arith.constant 640 : i32
    %mul3A_4 = arith.muli %arg1, %mul3A_3 : i32
    "tpu.region"() ({
      %run_scoped3A = tpu.sem_alloc : memref<!tpu.dma_semaphore, #tpu.memory_space<semaphore_mem>>
      %dma_start3A = arith.constant 0 : i32
      %dma_start3A_15 = tpu.memref_slice %arg14[%mul3A_4, %dma_start3A] : memref<10240x128xf32, #tpu.memory_space<vmem_shared>> -> memref<640x128xf32, #tpu.memory_space<vmem_shared>>
      %dma_start3A_16 = arith.constant 0 : i32
      %dma_start3A_17 = tpu.memref_slice %arg6[%mul3A_2, %dma_start3A_16] : memref<10240x128xf32, #tpu.memory_space<hbm>> -> memref<640x128xf32, #tpu.memory_space<hbm>>
      tpu.enqueue_dma source(%dma_start3A_17 : memref<640x128xf32, #tpu.memory_space<hbm>>) target(%dma_start3A_15 : memref<640x128xf32, #tpu.memory_space<vmem_shared>>) target_semaphore(%run_scoped3A : memref<!tpu.dma_semaphore, #tpu.memory_space<semaphore_mem>>)
      %dma_wait3A = arith.constant 0 : i32
      %dma_wait3A_18 = tpu.memref_slice %arg14[%mul3A_4, %dma_wait3A] : memref<10240x128xf32, #tpu.memory_space<vmem_shared>> -> memref<640x128xf32, #tpu.memory_space<vmem_shared>>
      %dma_wait3A_19 = arith.constant 0 : i32
      %dma_wait3A_20 = tpu.memref_slice %arg6[%mul3A_2, %dma_wait3A_19] : memref<10240x128xf32, #tpu.memory_space<hbm>> -> memref<640x128xf32, #tpu.memory_space<hbm>>
      tpu.wait_dma2 semaphore(%run_scoped3A : memref<!tpu.dma_semaphore, #tpu.memory_space<semaphore_mem>>) src(%dma_wait3A_20 : memref<640x128xf32, #tpu.memory_space<hbm>>) dst(%dma_wait3A_18 : memref<640x128xf32, #tpu.memory_space<vmem_shared>>)
      tpu.yield
    }) : () -> ()
    %barrier3A = arith.constant 0 : index
    tpu.barrier barrier_id(%barrier3A)
    %mul3A_5 = arith.constant 10000 : i32
    %mul3A_6 = arith.muli %add3A, %mul3A_5 : i32
    %scan3A = arith.constant 0 : i32
    %scan3A_7 = arith.constant 0 : i32
    %scan3A_8 = arith.constant 125 : i32
    %scan3A_9 = arith.addi %scan3A_7, %scan3A_8 : i32
    %scan3A_10 = arith.constant 1 : i32
    scf.for %scan3A_15 = %scan3A_7 to %scan3A_9 step %scan3A_10  : i32 {
      %mul3A_16 = arith.constant 80 : i32
      %mul3A_17 = arith.muli %scan3A_15, %mul3A_16 : i32
      %add3A_18 = arith.addi %mul3A_6, %mul3A_17 : i32
      %multiple_of3A = tpu.assume_multiple %add3A_18, 8 : i32
      "tpu.region"() ({
        %run_scoped3A = tpu.sem_alloc : memref<!tpu.dma_semaphore, #tpu.memory_space<semaphore_mem>>
        %dma_start3A_71 = tpu.memref_slice %arg2[%multiple_of3A] : memref<320000xi32, #tpu.memory_space<hbm>> -> memref<80xi32, #tpu.memory_space<hbm>>
        %dma_start3A_72 = tpu.memref_slice %arg2[%multiple_of3A] : memref<320000xi32, #tpu.memory_space<hbm>> -> memref<80xi32, #tpu.memory_space<hbm>>
        tpu.enqueue_dma source(%dma_start3A_72 : memref<80xi32, #tpu.memory_space<hbm>>) target(%arg8 : memref<80xi32, #tpu.memory_space<vmem>>) target_semaphore(%run_scoped3A : memref<!tpu.dma_semaphore, #tpu.memory_space<semaphore_mem>>)
        %dma_wait3A_73 = tpu.memref_slice %arg2[%multiple_of3A] : memref<320000xi32, #tpu.memory_space<hbm>> -> memref<80xi32, #tpu.memory_space<hbm>>
        %dma_wait3A_74 = tpu.memref_slice %arg2[%multiple_of3A] : memref<320000xi32, #tpu.memory_space<hbm>> -> memref<80xi32, #tpu.memory_space<hbm>>
        tpu.wait_dma2 semaphore(%run_scoped3A : memref<!tpu.dma_semaphore, #tpu.memory_space<semaphore_mem>>) src(%dma_wait3A_74 : memref<80xi32, #tpu.memory_space<hbm>>) dst(%arg8 : memref<80xi32, #tpu.memory_space<vmem>>)
        tpu.yield
      }) : () -> ()
      %mul3A_19 = arith.constant 125 : i32
      %mul3A_20 = arith.muli %add3A, %mul3A_19 : i32
      %add3A_21 = arith.addi %mul3A_20, %scan3A_15 : i32
      "tpu.region"() ({
        %run_scoped3A = tpu.sem_alloc : memref<!tpu.dma_semaphore, #tpu.memory_space<semaphore_mem>>
        %dma_start3A_71 = arith.constant 0 : i32
        %dma_start3A_72 = arith.constant 0 : i32
        %dma_start3A_73 = tpu.memref_slice %arg3[%add3A_21, %dma_start3A_71, %dma_start3A_72] : memref<4000x2x40xi32, #tpu.memory_space<hbm>> -> memref<1x2x40xi32, #tpu.memory_space<hbm>>
        %dma_start3A_74 = tpu.memref_squeeze %dma_start3A_73 : memref<1x2x40xi32, #tpu.memory_space<hbm>> -> memref<2x40xi32, #tpu.memory_space<hbm>>
        %dma_start3A_75 = arith.constant 0 : i32
        %dma_start3A_76 = arith.constant 0 : i32
        %dma_start3A_77 = tpu.memref_slice %arg3[%add3A_21, %dma_start3A_75, %dma_start3A_76] : memref<4000x2x40xi32, #tpu.memory_space<hbm>> -> memref<1x2x40xi32, #tpu.memory_space<hbm>>
        %dma_start3A_78 = tpu.memref_squeeze %dma_start3A_77 : memref<1x2x40xi32, #tpu.memory_space<hbm>> -> memref<2x40xi32, #tpu.memory_space<hbm>>
        tpu.enqueue_dma source(%dma_start3A_78 : memref<2x40xi32, #tpu.memory_space<hbm>>) target(%arg9 : memref<2x40xi32, #tpu.memory_space<vmem>>) target_semaphore(%run_scoped3A : memref<!tpu.dma_semaphore, #tpu.memory_space<semaphore_mem>>)
        %dma_wait3A_79 = arith.constant 0 : i32
        %dma_wait3A_80 = arith.constant 0 : i32
        %dma_wait3A_81 = tpu.memref_slice %arg3[%add3A_21, %dma_wait3A_79, %dma_wait3A_80] : memref<4000x2x40xi32, #tpu.memory_space<hbm>> -> memref<1x2x40xi32, #tpu.memory_space<hbm>>
        %dma_wait3A_82 = tpu.memref_squeeze %dma_wait3A_81 : memref<1x2x40xi32, #tpu.memory_space<hbm>> -> memref<2x40xi32, #tpu.memory_space<hbm>>
        %dma_wait3A_83 = arith.constant 0 : i32
        %dma_wait3A_84 = arith.constant 0 : i32
        %dma_wait3A_85 = tpu.memref_slice %arg3[%add3A_21, %dma_wait3A_83, %dma_wait3A_84] : memref<4000x2x40xi32, #tpu.memory_space<hbm>> -> memref<1x2x40xi32, #tpu.memory_space<hbm>>
        %dma_wait3A_86 = tpu.memref_squeeze %dma_wait3A_85 : memref<1x2x40xi32, #tpu.memory_space<hbm>> -> memref<2x40xi32, #tpu.memory_space<hbm>>
        tpu.wait_dma2 semaphore(%run_scoped3A : memref<!tpu.dma_semaphore, #tpu.memory_space<semaphore_mem>>) src(%dma_wait3A_86 : memref<2x40xi32, #tpu.memory_space<hbm>>) dst(%arg9 : memref<2x40xi32, #tpu.memory_space<vmem>>)
        tpu.yield
      }) : () -> ()
      %mul3A_22 = arith.constant 4 : i32
      %mul3A_23 = arith.muli %multiple_of3A, %mul3A_22 : i32
      %multiple_of3A_24 = tpu.assume_multiple %mul3A_23, 8 : i32
      "tpu.region"() ({
        %run_scoped3A = tpu.sem_alloc : memref<!tpu.dma_semaphore, #tpu.memory_space<semaphore_mem>>
        %dma_start3A_71 = arith.constant 0 : i32
        %dma_start3A_72 = tpu.memref_slice %arg10[%dma_start3A_71] : memref<336xf32, #tpu.memory_space<vmem>> -> memref<320xf32, #tpu.memory_space<vmem>>
        %dma_start3A_73 = tpu.memref_slice %arg4[%multiple_of3A_24] : memref<1280000xf32, #tpu.memory_space<hbm>> -> memref<320xf32, #tpu.memory_space<hbm>>
        %dma_start3A_74 = arith.constant 0 : i32
        %dma_start3A_75 = tpu.memref_slice %arg10[%dma_start3A_74] : memref<336xf32, #tpu.memory_space<vmem>> -> memref<320xf32, #tpu.memory_space<vmem>>
        %dma_start3A_76 = tpu.memref_slice %arg4[%multiple_of3A_24] : memref<1280000xf32, #tpu.memory_space<hbm>> -> memref<320xf32, #tpu.memory_space<hbm>>
        tpu.enqueue_dma source(%dma_start3A_76 : memref<320xf32, #tpu.memory_space<hbm>>) target(%dma_start3A_75 : memref<320xf32, #tpu.memory_space<vmem>>) target_semaphore(%run_scoped3A : memref<!tpu.dma_semaphore, #tpu.memory_space<semaphore_mem>>)
        %dma_wait3A_77 = arith.constant 0 : i32
        %dma_wait3A_78 = tpu.memref_slice %arg10[%dma_wait3A_77] : memref<336xf32, #tpu.memory_space<vmem>> -> memref<320xf32, #tpu.memory_space<vmem>>
        %dma_wait3A_79 = tpu.memref_slice %arg4[%multiple_of3A_24] : memref<1280000xf32, #tpu.memory_space<hbm>> -> memref<320xf32, #tpu.memory_space<hbm>>
        %dma_wait3A_80 = arith.constant 0 : i32
        %dma_wait3A_81 = tpu.memref_slice %arg10[%dma_wait3A_80] : memref<336xf32, #tpu.memory_space<vmem>> -> memref<320xf32, #tpu.memory_space<vmem>>
        %dma_wait3A_82 = tpu.memref_slice %arg4[%multiple_of3A_24] : memref<1280000xf32, #tpu.memory_space<hbm>> -> memref<320xf32, #tpu.memory_space<hbm>>
        tpu.wait_dma2 semaphore(%run_scoped3A : memref<!tpu.dma_semaphore, #tpu.memory_space<semaphore_mem>>) src(%dma_wait3A_82 : memref<320xf32, #tpu.memory_space<hbm>>) dst(%dma_wait3A_81 : memref<320xf32, #tpu.memory_space<vmem>>)
        tpu.yield
      }) : () -> ()
      %multiple_of3A_25 = arith.constant 0 : i32
      %multiple_of3A_26 = tpu.assume_multiple %multiple_of3A_25, 8 : i32
      %dma_start3A = tpu.memref_slice %arg8[%multiple_of3A_26] : memref<80xi32, #tpu.memory_space<vmem>> -> memref<40xi32, #tpu.memory_space<vmem>>
      %dma_start3A_27 = arith.constant 0 : i32
      %dma_start3A_28 = arith.constant 0 : i32
      %dma_start3A_29 = tpu.memref_slice %arg5[%dma_start3A_27, %dma_start3A_28] : memref<10000x512xf32, #tpu.memory_space<hbm>> -> memref<10000x512xf32, #tpu.memory_space<hbm>>
      tpu.enqueue_indirect_dma source(%dma_start3A_29 : memref<10000x512xf32, #tpu.memory_space<hbm>>) target(%arg11 : memref<40x512xf32, #tpu.memory_space<vmem>>) offsets(%dma_start3A : memref<40xi32, #tpu.memory_space<vmem>>) semaphore(%arg15 : memref<!tpu.dma_semaphore, #tpu.memory_space<semaphore_mem>>)
      %scan3A_30 = arith.constant 0 : i32
      %scan3A_31 = arith.constant 0 : i32
      %mul3A_32 = arith.constant 2 : i32
      %mul3A_33 = arith.muli %scan3A_31, %mul3A_32 : i32
      %dma_wait3A = arith.constant 0 : i32
      %dma_wait3A_34 = tpu.memref_slice %arg8[%dma_wait3A] : memref<80xi32, #tpu.memory_space<vmem>> -> memref<40xi32, #tpu.memory_space<vmem>>
      %dma_wait3A_35 = arith.constant 0 : i32
      %dma_wait3A_36 = arith.constant 0 : i32
      %dma_wait3A_37 = tpu.memref_slice %arg5[%dma_wait3A_35, %dma_wait3A_36] : memref<10000x512xf32, #tpu.memory_space<hbm>> -> memref<10000x512xf32, #tpu.memory_space<hbm>>
      tpu.wait_indirect_dma semaphore(%arg15 : memref<!tpu.dma_semaphore, #tpu.memory_space<semaphore_mem>>) src(%dma_wait3A_37 : memref<10000x512xf32, #tpu.memory_space<hbm>>) dst(%arg11 : memref<40x512xf32, #tpu.memory_space<vmem>>)
      %add3A_38 = arith.constant 1 : i32
      %add3A_39 = arith.addi %mul3A_33, %add3A_38 : i32
      %mul3A_40 = arith.constant 40 : i32
      %mul3A_41 = arith.muli %add3A_39, %mul3A_40 : i32
      %multiple_of3A_42 = tpu.assume_multiple %mul3A_41, 8 : i32
      %dma_start3A_43 = tpu.memref_slice %arg8[%multiple_of3A_42] : memref<80xi32, #tpu.memory_space<vmem>> -> memref<40xi32, #tpu.memory_space<vmem>>
      %dma_start3A_44 = arith.constant 0 : i32
      %dma_start3A_45 = arith.constant 0 : i32
      %dma_start3A_46 = tpu.memref_slice %arg5[%dma_start3A_44, %dma_start3A_45] : memref<10000x512xf32, #tpu.memory_space<hbm>> -> memref<10000x512xf32, #tpu.memory_space<hbm>>
      tpu.enqueue_indirect_dma source(%dma_start3A_46 : memref<10000x512xf32, #tpu.memory_space<hbm>>) target(%arg12 : memref<40x512xf32, #tpu.memory_space<vmem>>) offsets(%dma_start3A_43 : memref<40xi32, #tpu.memory_space<vmem>>) semaphore(%arg16 : memref<!tpu.dma_semaphore, #tpu.memory_space<semaphore_mem>>)
      %scan3A_47 = arith.constant 0 : i32
      %scan3A_48 = arith.constant 0 : i32
      %scan3A_49 = arith.constant 40 : i32
      %scan3A_50 = arith.addi %scan3A_48, %scan3A_49 : i32
      %scan3A_51 = arith.constant 1 : i32
      scf.for %scan3A_71 = %scan3A_48 to %scan3A_50 step %scan3A_51  : i32 {
        %mul3A_72 = arith.constant 40 : i32
        %mul3A_73 = arith.muli %mul3A_33, %mul3A_72 : i32
        %add3A_74 = arith.addi %mul3A_73, %scan3A_71 : i32
        %mul3A_75 = arith.constant 4 : i32
        %mul3A_76 = arith.muli %add3A_74, %mul3A_75 : i32
        %get3A = arith.index_cast %mul3A_76 : i32 to index
        %get3A_77 = tpu.vector_load %arg10[%get3A] {strides = array<i32>} : memref<336xf32, #tpu.memory_space<vmem>>, vector<16xf32>,
        %slice3A = vector.extract_strided_slice %get3A_77 {offsets = [0], sizes = [1], strides = [1]} : vector<16xf32> to vector<1xf32>
        %squeeze3A = vector.extract %slice3A[0] : f32 from vector<1xf32>
        %slice3A_78 = vector.extract_strided_slice %get3A_77 {offsets = [1], sizes = [1], strides = [1]} : vector<16xf32> to vector<1xf32>
        %squeeze3A_79 = vector.extract %slice3A_78[0] : f32 from vector<1xf32>
        %slice3A_80 = vector.extract_strided_slice %get3A_77 {offsets = [2], sizes = [1], strides = [1]} : vector<16xf32> to vector<1xf32>
        %squeeze3A_81 = vector.extract %slice3A_80[0] : f32 from vector<1xf32>
        %slice3A_82 = vector.extract_strided_slice %get3A_77 {offsets = [3], sizes = [1], strides = [1]} : vector<16xf32> to vector<1xf32>
        %squeeze3A_83 = vector.extract %slice3A_82[0] : f32 from vector<1xf32>
        %get3A_84 = arith.index_cast %scan3A_71 : i32 to index
        %get3A_85 = arith.constant 0 : index
        %get3A_86 = tpu.vector_load %arg11[%get3A_84, %get3A_85] {strides = array<i32>} : memref<40x512xf32, #tpu.memory_space<vmem>>, vector<16xf32>,
        %mul3A_87 = vector.broadcast %squeeze3A : f32 to vector<16xf32>
        %mul3A_88 = arith.mulf %mul3A_87, %get3A_86 : vector<16xf32>
        %get3A_89 = arith.index_cast %scan3A_71 : i32 to index
        %get3A_90 = arith.constant 128 : index
        %get3A_91 = tpu.vector_load %arg11[%get3A_89, %get3A_90] {strides = array<i32>} : memref<40x512xf32, #tpu.memory_space<vmem>>, vector<16xf32>,
        %mul3A_92 = vector.broadcast %squeeze3A_79 : f32 to vector<16xf32>
        %mul3A_93 = arith.mulf %mul3A_92, %get3A_91 : vector<16xf32>
        %add3A_94 = arith.addf %mul3A_88, %mul3A_93 : vector<16xf32>
        %get3A_95 = arith.index_cast %scan3A_71 : i32 to index
        %get3A_96 = arith.constant 256 : index
        %get3A_97 = tpu.vector_load %arg11[%get3A_95, %get3A_96] {strides = array<i32>} : memref<40x512xf32, #tpu.memory_space<vmem>>, vector<16xf32>,
        %mul3A_98 = vector.broadcast %squeeze3A_81 : f32 to vector<16xf32>
        %mul3A_99 = arith.mulf %mul3A_98, %get3A_97 : vector<16xf32>
        %add3A_100 = arith.addf %add3A_94, %mul3A_99 : vector<16xf32>
        %get3A_101 = arith.index_cast %scan3A_71 : i32 to index
        %get3A_102 = arith.constant 384 : index
        %get3A_103 = tpu.vector_load %arg11[%get3A_101, %get3A_102] {strides = array<i32>} : memref<40x512xf32, #tpu.memory_space<vmem>>, vector<16xf32>,
        %mul3A_104 = vector.broadcast %squeeze3A_83 : f32 to vector<16xf32>
        %mul3A_105 = arith.mulf %mul3A_104, %get3A_103 : vector<16xf32>
        %add3A_106 = arith.addf %add3A_100, %mul3A_105 : vector<16xf32>
        %swap3A = arith.index_cast %scan3A_71 : i32 to index
        %swap3A_107 = arith.constant 0 : index
        %swap3A_108 = tpu.vector_load %arg13[%swap3A, %swap3A_107] {strides = array<i32>} : memref<40x128xf32, #tpu.memory_space<vmem>>, vector<16xf32>,
        tpu.vector_store %arg13[%swap3A, %swap3A_107], %add3A_106 {strides = array<i32>} : memref<40x128xf32, #tpu.memory_space<vmem>>, vector<16xf32>,
        %get3A_109 = arith.index_cast %scan3A_71 : i32 to index
        %get3A_110 = arith.constant 16 : index
        %get3A_111 = tpu.vector_load %arg11[%get3A_109, %get3A_110] {strides = array<i32>} : memref<40x512xf32, #tpu.memory_space<vmem>>, vector<16xf32>,
        %mul3A_112 = vector.broadcast %squeeze3A : f32 to vector<16xf32>
        %mul3A_113 = arith.mulf %mul3A_112, %get3A_111 : vector<16xf32>
        %get3A_114 = arith.index_cast %scan3A_71 : i32 to index
        %get3A_115 = arith.constant 144 : index
        %get3A_116 = tpu.vector_load %arg11[%get3A_114, %get3A_115] {strides = array<i32>} : memref<40x512xf32, #tpu.memory_space<vmem>>, vector<16xf32>,
        %mul3A_117 = vector.broadcast %squeeze3A_79 : f32 to vector<16xf32>
        %mul3A_118 = arith.mulf %mul3A_117, %get3A_116 : vector<16xf32>
        %add3A_119 = arith.addf %mul3A_113, %mul3A_118 : vector<16xf32>
        %get3A_120 = arith.index_cast %scan3A_71 : i32 to index
        %get3A_121 = arith.constant 272 : index
        %get3A_122 = tpu.vector_load %arg11[%get3A_120, %get3A_121] {strides = array<i32>} : memref<40x512xf32, #tpu.memory_space<vmem>>, vector<16xf32>,
        %mul3A_123 = vector.broadcast %squeeze3A_81 : f32 to vector<16xf32>
        %mul3A_124 = arith.mulf %mul3A_123, %get3A_122 : vector<16xf32>
        %add3A_125 = arith.addf %add3A_119, %mul3A_124 : vector<16xf32>
        %get3A_126 = arith.index_cast %scan3A_71 : i32 to index
        %get3A_127 = arith.constant 400 : index
        %get3A_128 = tpu.vector_load %arg11[%get3A_126, %get3A_127] {strides = array<i32>} : memref<40x512xf32, #tpu.memory_space<vmem>>, vector<16xf32>,
        %mul3A_129 = vector.broadcast %squeeze3A_83 : f32 to vector<16xf32>
        %mul3A_130 = arith.mulf %mul3A_129, %get3A_128 : vector<16xf32>
        %add3A_131 = arith.addf %add3A_125, %mul3A_130 : vector<16xf32>
        %swap3A_132 = arith.index_cast %scan3A_71 : i32 to index
        %swap3A_133 = arith.constant 16 : index
        %swap3A_134 = tpu.vector_load %arg13[%swap3A_132, %swap3A_133] {strides = array<i32>} : memref<40x128xf32, #tpu.memory_space<vmem>>, vector<16xf32>,
        tpu.vector_store %arg13[%swap3A_132, %swap3A_133], %add3A_131 {strides = array<i32>} : memref<40x128xf32, #tpu.memory_space<vmem>>, vector<16xf32>,
        %get3A_135 = arith.index_cast %scan3A_71 : i32 to index
        %get3A_136 = arith.constant 32 : index
        %get3A_137 = tpu.vector_load %arg11[%get3A_135, %get3A_136] {strides = array<i32>} : memref<40x512xf32, #tpu.memory_space<vmem>>, vector<16xf32>,
        %mul3A_138 = vector.broadcast %squeeze3A : f32 to vector<16xf32>
        %mul3A_139 = arith.mulf %mul3A_138, %get3A_137 : vector<16xf32>
        %get3A_140 = arith.index_cast %scan3A_71 : i32 to index
        %get3A_141 = arith.constant 160 : index
        %get3A_142 = tpu.vector_load %arg11[%get3A_140, %get3A_141] {strides = array<i32>} : memref<40x512xf32, #tpu.memory_space<vmem>>, vector<16xf32>,
        %mul3A_143 = vector.broadcast %squeeze3A_79 : f32 to vector<16xf32>
        %mul3A_144 = arith.mulf %mul3A_143, %get3A_142 : vector<16xf32>
        %add3A_145 = arith.addf %mul3A_139, %mul3A_144 : vector<16xf32>
        %get3A_146 = arith.index_cast %scan3A_71 : i32 to index
        %get3A_147 = arith.constant 288 : index
        %get3A_148 = tpu.vector_load %arg11[%get3A_146, %get3A_147] {strides = array<i32>} : memref<40x512xf32, #tpu.memory_space<vmem>>, vector<16xf32>,
        %mul3A_149 = vector.broadcast %squeeze3A_81 : f32 to vector<16xf32>
        %mul3A_150 = arith.mulf %mul3A_149, %get3A_148 : vector<16xf32>
        %add3A_151 = arith.addf %add3A_145, %mul3A_150 : vector<16xf32>
        %get3A_152 = arith.index_cast %scan3A_71 : i32 to index
        %get3A_153 = arith.constant 416 : index
        %get3A_154 = tpu.vector_load %arg11[%get3A_152, %get3A_153] {strides = array<i32>} : memref<40x512xf32, #tpu.memory_space<vmem>>, vector<16xf32>,
        %mul3A_155 = vector.broadcast %squeeze3A_83 : f32 to vector<16xf32>
        %mul3A_156 = arith.mulf %mul3A_155, %get3A_154 : vector<16xf32>
        %add3A_157 = arith.addf %add3A_151, %mul3A_156 : vector<16xf32>
        %swap3A_158 = arith.index_cast %scan3A_71 : i32 to index
        %swap3A_159 = arith.constant 32 : index
        %swap3A_160 = tpu.vector_load %arg13[%swap3A_158, %swap3A_159] {strides = array<i32>} : memref<40x128xf32, #tpu.memory_space<vmem>>, vector<16xf32>,
        tpu.vector_store %arg13[%swap3A_158, %swap3A_159], %add3A_157 {strides = array<i32>} : memref<40x128xf32, #tpu.memory_space<vmem>>, vector<16xf32>,
        %get3A_161 = arith.index_cast %scan3A_71 : i32 to index
        %get3A_162 = arith.constant 48 : index
        %get3A_163 = tpu.vector_load %arg11[%get3A_161, %get3A_162] {strides = array<i32>} : memref<40x512xf32, #tpu.memory_space<vmem>>, vector<16xf32>,
        %mul3A_164 = vector.broadcast %squeeze3A : f32 to vector<16xf32>
        %mul3A_165 = arith.mulf %mul3A_164, %get3A_163 : vector<16xf32>
        %get3A_166 = arith.index_cast %scan3A_71 : i32 to index
        %get3A_167 = arith.constant 176 : index
        %get3A_168 = tpu.vector_load %arg11[%get3A_166, %get3A_167] {strides = array<i32>} : memref<40x512xf32, #tpu.memory_space<vmem>>, vector<16xf32>,
        %mul3A_169 = vector.broadcast %squeeze3A_79 : f32 to vector<16xf32>
        %mul3A_170 = arith.mulf %mul3A_169, %get3A_168 : vector<16xf32>
        %add3A_171 = arith.addf %mul3A_165, %mul3A_170 : vector<16xf32>
        %get3A_172 = arith.index_cast %scan3A_71 : i32 to index
        %get3A_173 = arith.constant 304 : index
        %get3A_174 = tpu.vector_load %arg11[%get3A_172, %get3A_173] {strides = array<i32>} : memref<40x512xf32, #tpu.memory_space<vmem>>, vector<16xf32>,
        %mul3A_175 = vector.broadcast %squeeze3A_81 : f32 to vector<16xf32>
        %mul3A_176 = arith.mulf %mul3A_175, %get3A_174 : vector<16xf32>
        %add3A_177 = arith.addf %add3A_171, %mul3A_176 : vector<16xf32>
        %get3A_178 = arith.index_cast %scan3A_71 : i32 to index
        %get3A_179 = arith.constant 432 : index
        %get3A_180 = tpu.vector_load %arg11[%get3A_178, %get3A_179] {strides = array<i32>} : memref<40x512xf32, #tpu.memory_space<vmem>>, vector<16xf32>,
        %mul3A_181 = vector.broadcast %squeeze3A_83 : f32 to vector<16xf32>
        %mul3A_182 = arith.mulf %mul3A_181, %get3A_180 : vector<16xf32>
        %add3A_183 = arith.addf %add3A_177, %mul3A_182 : vector<16xf32>
        %swap3A_184 = arith.index_cast %scan3A_71 : i32 to index
        %swap3A_185 = arith.constant 48 : index
        %swap3A_186 = tpu.vector_load %arg13[%swap3A_184, %swap3A_185] {strides = array<i32>} : memref<40x128xf32, #tpu.memory_space<vmem>>, vector<16xf32>,
        tpu.vector_store %arg13[%swap3A_184, %swap3A_185], %add3A_183 {strides = array<i32>} : memref<40x128xf32, #tpu.memory_space<vmem>>, vector<16xf32>,
        %get3A_187 = arith.index_cast %scan3A_71 : i32 to index
        %get3A_188 = arith.constant 64 : index
        %get3A_189 = tpu.vector_load %arg11[%get3A_187, %get3A_188] {strides = array<i32>} : memref<40x512xf32, #tpu.memory_space<vmem>>, vector<16xf32>,
        %mul3A_190 = vector.broadcast %squeeze3A : f32 to vector<16xf32>
        %mul3A_191 = arith.mulf %mul3A_190, %get3A_189 : vector<16xf32>
        %get3A_192 = arith.index_cast %scan3A_71 : i32 to index
        %get3A_193 = arith.constant 192 : index
        %get3A_194 = tpu.vector_load %arg11[%get3A_192, %get3A_193] {strides = array<i32>} : memref<40x512xf32, #tpu.memory_space<vmem>>, vector<16xf32>,
        %mul3A_195 = vector.broadcast %squeeze3A_79 : f32 to vector<16xf32>
        %mul3A_196 = arith.mulf %mul3A_195, %get3A_194 : vector<16xf32>
        %add3A_197 = arith.addf %mul3A_191, %mul3A_196 : vector<16xf32>
        %get3A_198 = arith.index_cast %scan3A_71 : i32 to index
        %get3A_199 = arith.constant 320 : index
        %get3A_200 = tpu.vector_load %arg11[%get3A_198, %get3A_199] {strides = array<i32>} : memref<40x512xf32, #tpu.memory_space<vmem>>, vector<16xf32>,
        %mul3A_201 = vector.broadcast %squeeze3A_81 : f32 to vector<16xf32>
        %mul3A_202 = arith.mulf %mul3A_201, %get3A_200 : vector<16xf32>
        %add3A_203 = arith.addf %add3A_197, %mul3A_202 : vector<16xf32>
        %get3A_204 = arith.index_cast %scan3A_71 : i32 to index
        %get3A_205 = arith.constant 448 : index
        %get3A_206 = tpu.vector_load %arg11[%get3A_204, %get3A_205] {strides = array<i32>} : memref<40x512xf32, #tpu.memory_space<vmem>>, vector<16xf32>,
        %mul3A_207 = vector.broadcast %squeeze3A_83 : f32 to vector<16xf32>
        %mul3A_208 = arith.mulf %mul3A_207, %get3A_206 : vector<16xf32>
        %add3A_209 = arith.addf %add3A_203, %mul3A_208 : vector<16xf32>
        %swap3A_210 = arith.index_cast %scan3A_71 : i32 to index
        %swap3A_211 = arith.constant 64 : index
        %swap3A_212 = tpu.vector_load %arg13[%swap3A_210, %swap3A_211] {strides = array<i32>} : memref<40x128xf32, #tpu.memory_space<vmem>>, vector<16xf32>,
        tpu.vector_store %arg13[%swap3A_210, %swap3A_211], %add3A_209 {strides = array<i32>} : memref<40x128xf32, #tpu.memory_space<vmem>>, vector<16xf32>,
        %get3A_213 = arith.index_cast %scan3A_71 : i32 to index
        %get3A_214 = arith.constant 80 : index
        %get3A_215 = tpu.vector_load %arg11[%get3A_213, %get3A_214] {strides = array<i32>} : memref<40x512xf32, #tpu.memory_space<vmem>>, vector<16xf32>,
        %mul3A_216 = vector.broadcast %squeeze3A : f32 to vector<16xf32>
        %mul3A_217 = arith.mulf %mul3A_216, %get3A_215 : vector<16xf32>
        %get3A_218 = arith.index_cast %scan3A_71 : i32 to index
        %get3A_219 = arith.constant 208 : index
        %get3A_220 = tpu.vector_load %arg11[%get3A_218, %get3A_219] {strides = array<i32>} : memref<40x512xf32, #tpu.memory_space<vmem>>, vector<16xf32>,
        %mul3A_221 = vector.broadcast %squeeze3A_79 : f32 to vector<16xf32>
        %mul3A_222 = arith.mulf %mul3A_221, %get3A_220 : vector<16xf32>
        %add3A_223 = arith.addf %mul3A_217, %mul3A_222 : vector<16xf32>
        %get3A_224 = arith.index_cast %scan3A_71 : i32 to index
        %get3A_225 = arith.constant 336 : index
        %get3A_226 = tpu.vector_load %arg11[%get3A_224, %get3A_225] {strides = array<i32>} : memref<40x512xf32, #tpu.memory_space<vmem>>, vector<16xf32>,
        %mul3A_227 = vector.broadcast %squeeze3A_81 : f32 to vector<16xf32>
        %mul3A_228 = arith.mulf %mul3A_227, %get3A_226 : vector<16xf32>
        %add3A_229 = arith.addf %add3A_223, %mul3A_228 : vector<16xf32>
        %get3A_230 = arith.index_cast %scan3A_71 : i32 to index
        %get3A_231 = arith.constant 464 : index
        %get3A_232 = tpu.vector_load %arg11[%get3A_230, %get3A_231] {strides = array<i32>} : memref<40x512xf32, #tpu.memory_space<vmem>>, vector<16xf32>,
        %mul3A_233 = vector.broadcast %squeeze3A_83 : f32 to vector<16xf32>
        %mul3A_234 = arith.mulf %mul3A_233, %get3A_232 : vector<16xf32>
        %add3A_235 = arith.addf %add3A_229, %mul3A_234 : vector<16xf32>
        %swap3A_236 = arith.index_cast %scan3A_71 : i32 to index
        %swap3A_237 = arith.constant 80 : index
        %swap3A_238 = tpu.vector_load %arg13[%swap3A_236, %swap3A_237] {strides = array<i32>} : memref<40x128xf32, #tpu.memory_space<vmem>>, vector<16xf32>,
        tpu.vector_store %arg13[%swap3A_236, %swap3A_237], %add3A_235 {strides = array<i32>} : memref<40x128xf32, #tpu.memory_space<vmem>>, vector<16xf32>,
        %get3A_239 = arith.index_cast %scan3A_71 : i32 to index
        %get3A_240 = arith.constant 96 : index
        %get3A_241 = tpu.vector_load %arg11[%get3A_239, %get3A_240] {strides = array<i32>} : memref<40x512xf32, #tpu.memory_space<vmem>>, vector<16xf32>,
        %mul3A_242 = vector.broadcast %squeeze3A : f32 to vector<16xf32>
        %mul3A_243 = arith.mulf %mul3A_242, %get3A_241 : vector<16xf32>
        %get3A_244 = arith.index_cast %scan3A_71 : i32 to index
        %get3A_245 = arith.constant 224 : index
        %get3A_246 = tpu.vector_load %arg11[%get3A_244, %get3A_245] {strides = array<i32>} : memref<40x512xf32, #tpu.memory_space<vmem>>, vector<16xf32>,
        %mul3A_247 = vector.broadcast %squeeze3A_79 : f32 to vector<16xf32>
        %mul3A_248 = arith.mulf %mul3A_247, %get3A_246 : vector<16xf32>
        %add3A_249 = arith.addf %mul3A_243, %mul3A_248 : vector<16xf32>
        %get3A_250 = arith.index_cast %scan3A_71 : i32 to index
        %get3A_251 = arith.constant 352 : index
        %get3A_252 = tpu.vector_load %arg11[%get3A_250, %get3A_251] {strides = array<i32>} : memref<40x512xf32, #tpu.memory_space<vmem>>, vector<16xf32>,
        %mul3A_253 = vector.broadcast %squeeze3A_81 : f32 to vector<16xf32>
        %mul3A_254 = arith.mulf %mul3A_253, %get3A_252 : vector<16xf32>
        %add3A_255 = arith.addf %add3A_249, %mul3A_254 : vector<16xf32>
        %get3A_256 = arith.index_cast %scan3A_71 : i32 to index
        %get3A_257 = arith.constant 480 : index
        %get3A_258 = tpu.vector_load %arg11[%get3A_256, %get3A_257] {strides = array<i32>} : memref<40x512xf32, #tpu.memory_space<vmem>>, vector<16xf32>,
        %mul3A_259 = vector.broadcast %squeeze3A_83 : f32 to vector<16xf32>
        %mul3A_260 = arith.mulf %mul3A_259, %get3A_258 : vector<16xf32>
        %add3A_261 = arith.addf %add3A_255, %mul3A_260 : vector<16xf32>
        %swap3A_262 = arith.index_cast %scan3A_71 : i32 to index
        %swap3A_263 = arith.constant 96 : index
        %swap3A_264 = tpu.vector_load %arg13[%swap3A_262, %swap3A_263] {strides = array<i32>} : memref<40x128xf32, #tpu.memory_space<vmem>>, vector<16xf32>,
        tpu.vector_store %arg13[%swap3A_262, %swap3A_263], %add3A_261 {strides = array<i32>} : memref<40x128xf32, #tpu.memory_space<vmem>>, vector<16xf32>,
        %get3A_265 = arith.index_cast %scan3A_71 : i32 to index
        %get3A_266 = arith.constant 112 : index
        %get3A_267 = tpu.vector_load %arg11[%get3A_265, %get3A_266] {strides = array<i32>} : memref<40x512xf32, #tpu.memory_space<vmem>>, vector<16xf32>,
        %mul3A_268 = vector.broadcast %squeeze3A : f32 to vector<16xf32>
        %mul3A_269 = arith.mulf %mul3A_268, %get3A_267 : vector<16xf32>
        %get3A_270 = arith.index_cast %scan3A_71 : i32 to index
        %get3A_271 = arith.constant 240 : index
        %get3A_272 = tpu.vector_load %arg11[%get3A_270, %get3A_271] {strides = array<i32>} : memref<40x512xf32, #tpu.memory_space<vmem>>, vector<16xf32>,
        %mul3A_273 = vector.broadcast %squeeze3A_79 : f32 to vector<16xf32>
        %mul3A_274 = arith.mulf %mul3A_273, %get3A_272 : vector<16xf32>
        %add3A_275 = arith.addf %mul3A_269, %mul3A_274 : vector<16xf32>
        %get3A_276 = arith.index_cast %scan3A_71 : i32 to index
        %get3A_277 = arith.constant 368 : index
        %get3A_278 = tpu.vector_load %arg11[%get3A_276, %get3A_277] {strides = array<i32>} : memref<40x512xf32, #tpu.memory_space<vmem>>, vector<16xf32>,
        %mul3A_279 = vector.broadcast %squeeze3A_81 : f32 to vector<16xf32>
        %mul3A_280 = arith.mulf %mul3A_279, %get3A_278 : vector<16xf32>
        %add3A_281 = arith.addf %add3A_275, %mul3A_280 : vector<16xf32>
        %get3A_282 = arith.index_cast %scan3A_71 : i32 to index
        %get3A_283 = arith.constant 496 : index
        %get3A_284 = tpu.vector_load %arg11[%get3A_282, %get3A_283] {strides = array<i32>} : memref<40x512xf32, #tpu.memory_space<vmem>>, vector<16xf32>,
        %mul3A_285 = vector.broadcast %squeeze3A_83 : f32 to vector<16xf32>
        %mul3A_286 = arith.mulf %mul3A_285, %get3A_284 : vector<16xf32>
        %add3A_287 = arith.addf %add3A_281, %mul3A_286 : vector<16xf32>
        %swap3A_288 = arith.index_cast %scan3A_71 : i32 to index
        %swap3A_289 = arith.constant 112 : index
        %swap3A_290 = tpu.vector_load %arg13[%swap3A_288, %swap3A_289] {strides = array<i32>} : memref<40x128xf32, #tpu.memory_space<vmem>>, vector<16xf32>,
        tpu.vector_store %arg13[%swap3A_288, %swap3A_289], %add3A_287 {strides = array<i32>} : memref<40x128xf32, #tpu.memory_space<vmem>>, vector<16xf32>,
      }
      %scan3A_52 = arith.constant 40 : i32
      "tpu.region"() ({
        %run_scoped3A = tpu.sem_alloc : memref<!tpu.dma_semaphore, #tpu.memory_space<semaphore_mem>>
        %dma_start3A_71 = arith.constant 0 : i32
        %dma_start3A_72 = tpu.memref_slice %arg9[%mul3A_33, %dma_start3A_71] : memref<2x40xi32, #tpu.memory_space<vmem>> -> memref<1x40xi32, #tpu.memory_space<vmem>>
        %dma_start3A_73 = tpu.memref_squeeze %dma_start3A_72 : memref<1x40xi32, #tpu.memory_space<vmem>> -> memref<40xi32, #tpu.memory_space<vmem>>
        %dma_start3A_74 = arith.constant 0 : i32
        %dma_start3A_75 = arith.constant 0 : i32
        %dma_start3A_76 = tpu.memref_slice %arg14[%dma_start3A_74, %dma_start3A_75] : memref<10240x128xf32, #tpu.memory_space<vmem_shared>> -> memref<10240x128xf32, #tpu.memory_space<vmem_shared>>
        tpu.enqueue_indirect_dma source(%arg13 : memref<40x128xf32, #tpu.memory_space<vmem>>) target(%dma_start3A_76 : memref<10240x128xf32, #tpu.memory_space<vmem_shared>>) offsets(%dma_start3A_73 : memref<40xi32, #tpu.memory_space<vmem>>) semaphore(%run_scoped3A : memref<!tpu.dma_semaphore, #tpu.memory_space<semaphore_mem>>) {add = true}
        %dma_wait3A_77 = arith.constant 0 : i32
        %dma_wait3A_78 = tpu.memref_slice %arg9[%mul3A_33, %dma_wait3A_77] : memref<2x40xi32, #tpu.memory_space<vmem>> -> memref<1x40xi32, #tpu.memory_space<vmem>>
        %dma_wait3A_79 = tpu.memref_squeeze %dma_wait3A_78 : memref<1x40xi32, #tpu.memory_space<vmem>> -> memref<40xi32, #tpu.memory_space<vmem>>
        %dma_wait3A_80 = arith.constant 0 : i32
        %dma_wait3A_81 = arith.constant 0 : i32
        %dma_wait3A_82 = tpu.memref_slice %arg14[%dma_wait3A_80, %dma_wait3A_81] : memref<10240x128xf32, #tpu.memory_space<vmem_shared>> -> memref<10240x128xf32, #tpu.memory_space<vmem_shared>>
        tpu.wait_indirect_dma semaphore(%run_scoped3A : memref<!tpu.dma_semaphore, #tpu.memory_space<semaphore_mem>>) src(%arg13 : memref<40x128xf32, #tpu.memory_space<vmem>>) dst(%dma_wait3A_82 : memref<10240x128xf32, #tpu.memory_space<vmem_shared>>)
        tpu.yield
      }) : () -> ()
      %dma_wait3A_53 = arith.constant 0 : i32
      %dma_wait3A_54 = tpu.memref_slice %arg8[%dma_wait3A_53] : memref<80xi32, #tpu.memory_space<vmem>> -> memref<40xi32, #tpu.memory_space<vmem>>
      %dma_wait3A_55 = arith.constant 0 : i32
      %dma_wait3A_56 = arith.constant 0 : i32
      %dma_wait3A_57 = tpu.memref_slice %arg5[%dma_wait3A_55, %dma_wait3A_56] : memref<10000x512xf32, #tpu.memory_space<hbm>> -> memref<10000x512xf32, #tpu.memory_space<hbm>>
      tpu.wait_indirect_dma semaphore(%arg16 : memref<!tpu.dma_semaphore, #tpu.memory_space<semaphore_mem>>) src(%dma_wait3A_57 : memref<10000x512xf32, #tpu.memory_space<hbm>>) dst(%arg12 : memref<40x512xf32, #tpu.memory_space<vmem>>)
      %lt3A = arith.constant 0 : i32
      %lt3A_58 = arith.cmpi slt, %scan3A_31, %lt3A : i32
      %convert_element_type3A_59 = arith.extui %lt3A_58 : i1 to i32
      %cond3A_60 = arith.constant 0 : i32
      %cond3A_61 = arith.cmpi ne, %convert_element_type3A_59, %cond3A_60 : i32
      scf.if %cond3A_61 {
        %add3A_71 = arith.constant 2 : i32
        %add3A_72 = arith.addi %mul3A_33, %add3A_71 : i32
        %mul3A_73 = arith.constant 40 : i32
        %mul3A_74 = arith.muli %add3A_72, %mul3A_73 : i32
        %multiple_of3A_75 = tpu.assume_multiple %mul3A_74, 8 : i32
        %dma_start3A_76 = tpu.memref_slice %arg8[%multiple_of3A_75] : memref<80xi32, #tpu.memory_space<vmem>> -> memref<40xi32, #tpu.memory_space<vmem>>
        %dma_start3A_77 = arith.constant 0 : i32
        %dma_start3A_78 = arith.constant 0 : i32
        %dma_start3A_79 = tpu.memref_slice %arg5[%dma_start3A_77, %dma_start3A_78] : memref<10000x512xf32, #tpu.memory_space<hbm>> -> memref<10000x512xf32, #tpu.memory_space<hbm>>
        tpu.enqueue_indirect_dma source(%dma_start3A_79 : memref<10000x512xf32, #tpu.memory_space<hbm>>) target(%arg11 : memref<40x512xf32, #tpu.memory_space<vmem>>) offsets(%dma_start3A_76 : memref<40xi32, #tpu.memory_space<vmem>>) semaphore(%arg15 : memref<!tpu.dma_semaphore, #tpu.memory_space<semaphore_mem>>)
      } else {
      }
      %add3A_62 = arith.constant 1 : i32
      %add3A_63 = arith.addi %mul3A_33, %add3A_62 : i32
      %scan3A_64 = arith.constant 0 : i32
      %scan3A_65 = arith.constant 0 : i32
      %scan3A_66 = arith.constant 40 : i32
      %scan3A_67 = arith.addi %scan3A_65, %scan3A_66 : i32
      %scan3A_68 = arith.constant 1 : i32
      scf.for %scan3A_71 = %scan3A_65 to %scan3A_67 step %scan3A_68  : i32 {
        %mul3A_72 = arith.constant 40 : i32
        %mul3A_73 = arith.muli %add3A_63, %mul3A_72 : i32
        %add3A_74 = arith.addi %mul3A_73, %scan3A_71 : i32
        %mul3A_75 = arith.constant 4 : i32
        %mul3A_76 = arith.muli %add3A_74, %mul3A_75 : i32
        %get3A = arith.index_cast %mul3A_76 : i32 to index
        %get3A_77 = tpu.vector_load %arg10[%get3A] {strides = array<i32>} : memref<336xf32, #tpu.memory_space<vmem>>, vector<16xf32>,
        %slice3A = vector.extract_strided_slice %get3A_77 {offsets = [0], sizes = [1], strides = [1]} : vector<16xf32> to vector<1xf32>
        %squeeze3A = vector.extract %slice3A[0] : f32 from vector<1xf32>
        %slice3A_78 = vector.extract_strided_slice %get3A_77 {offsets = [1], sizes = [1], strides = [1]} : vector<16xf32> to vector<1xf32>
        %squeeze3A_79 = vector.extract %slice3A_78[0] : f32 from vector<1xf32>
        %slice3A_80 = vector.extract_strided_slice %get3A_77 {offsets = [2], sizes = [1], strides = [1]} : vector<16xf32> to vector<1xf32>
        %squeeze3A_81 = vector.extract %slice3A_80[0] : f32 from vector<1xf32>
        %slice3A_82 = vector.extract_strided_slice %get3A_77 {offsets = [3], sizes = [1], strides = [1]} : vector<16xf32> to vector<1xf32>
        %squeeze3A_83 = vector.extract %slice3A_82[0] : f32 from vector<1xf32>
        %get3A_84 = arith.index_cast %scan3A_71 : i32 to index
        %get3A_85 = arith.constant 0 : index
        %get3A_86 = tpu.vector_load %arg12[%get3A_84, %get3A_85] {strides = array<i32>} : memref<40x512xf32, #tpu.memory_space<vmem>>, vector<16xf32>,
        %mul3A_87 = vector.broadcast %squeeze3A : f32 to vector<16xf32>
        %mul3A_88 = arith.mulf %mul3A_87, %get3A_86 : vector<16xf32>
        %get3A_89 = arith.index_cast %scan3A_71 : i32 to index
        %get3A_90 = arith.constant 128 : index
        %get3A_91 = tpu.vector_load %arg12[%get3A_89, %get3A_90] {strides = array<i32>} : memref<40x512xf32, #tpu.memory_space<vmem>>, vector<16xf32>,
        %mul3A_92 = vector.broadcast %squeeze3A_79 : f32 to vector<16xf32>
        %mul3A_93 = arith.mulf %mul3A_92, %get3A_91 : vector<16xf32>
        %add3A_94 = arith.addf %mul3A_88, %mul3A_93 : vector<16xf32>
        %get3A_95 = arith.index_cast %scan3A_71 : i32 to index
        %get3A_96 = arith.constant 256 : index
        %get3A_97 = tpu.vector_load %arg12[%get3A_95, %get3A_96] {strides = array<i32>} : memref<40x512xf32, #tpu.memory_space<vmem>>, vector<16xf32>,
        %mul3A_98 = vector.broadcast %squeeze3A_81 : f32 to vector<16xf32>
        %mul3A_99 = arith.mulf %mul3A_98, %get3A_97 : vector<16xf32>
        %add3A_100 = arith.addf %add3A_94, %mul3A_99 : vector<16xf32>
        %get3A_101 = arith.index_cast %scan3A_71 : i32 to index
        %get3A_102 = arith.constant 384 : index
        %get3A_103 = tpu.vector_load %arg12[%get3A_101, %get3A_102] {strides = array<i32>} : memref<40x512xf32, #tpu.memory_space<vmem>>, vector<16xf32>,
        %mul3A_104 = vector.broadcast %squeeze3A_83 : f32 to vector<16xf32>
        %mul3A_105 = arith.mulf %mul3A_104, %get3A_103 : vector<16xf32>
        %add3A_106 = arith.addf %add3A_100, %mul3A_105 : vector<16xf32>
        %swap3A = arith.index_cast %scan3A_71 : i32 to index
        %swap3A_107 = arith.constant 0 : index
        %swap3A_108 = tpu.vector_load %arg13[%swap3A, %swap3A_107] {strides = array<i32>} : memref<40x128xf32, #tpu.memory_space<vmem>>, vector<16xf32>,
        tpu.vector_store %arg13[%swap3A, %swap3A_107], %add3A_106 {strides = array<i32>} : memref<40x128xf32, #tpu.memory_space<vmem>>, vector<16xf32>,
        %get3A_109 = arith.index_cast %scan3A_71 : i32 to index
        %get3A_110 = arith.constant 16 : index
        %get3A_111 = tpu.vector_load %arg12[%get3A_109, %get3A_110] {strides = array<i32>} : memref<40x512xf32, #tpu.memory_space<vmem>>, vector<16xf32>,
        %mul3A_112 = vector.broadcast %squeeze3A : f32 to vector<16xf32>
        %mul3A_113 = arith.mulf %mul3A_112, %get3A_111 : vector<16xf32>
        %get3A_114 = arith.index_cast %scan3A_71 : i32 to index
        %get3A_115 = arith.constant 144 : index
        %get3A_116 = tpu.vector_load %arg12[%get3A_114, %get3A_115] {strides = array<i32>} : memref<40x512xf32, #tpu.memory_space<vmem>>, vector<16xf32>,
        %mul3A_117 = vector.broadcast %squeeze3A_79 : f32 to vector<16xf32>
        %mul3A_118 = arith.mulf %mul3A_117, %get3A_116 : vector<16xf32>
        %add3A_119 = arith.addf %mul3A_113, %mul3A_118 : vector<16xf32>
        %get3A_120 = arith.index_cast %scan3A_71 : i32 to index
        %get3A_121 = arith.constant 272 : index
        %get3A_122 = tpu.vector_load %arg12[%get3A_120, %get3A_121] {strides = array<i32>} : memref<40x512xf32, #tpu.memory_space<vmem>>, vector<16xf32>,
        %mul3A_123 = vector.broadcast %squeeze3A_81 : f32 to vector<16xf32>
        %mul3A_124 = arith.mulf %mul3A_123, %get3A_122 : vector<16xf32>
        %add3A_125 = arith.addf %add3A_119, %mul3A_124 : vector<16xf32>
        %get3A_126 = arith.index_cast %scan3A_71 : i32 to index
        %get3A_127 = arith.constant 400 : index
        %get3A_128 = tpu.vector_load %arg12[%get3A_126, %get3A_127] {strides = array<i32>} : memref<40x512xf32, #tpu.memory_space<vmem>>, vector<16xf32>,
        %mul3A_129 = vector.broadcast %squeeze3A_83 : f32 to vector<16xf32>
        %mul3A_130 = arith.mulf %mul3A_129, %get3A_128 : vector<16xf32>
        %add3A_131 = arith.addf %add3A_125, %mul3A_130 : vector<16xf32>
        %swap3A_132 = arith.index_cast %scan3A_71 : i32 to index
        %swap3A_133 = arith.constant 16 : index
        %swap3A_134 = tpu.vector_load %arg13[%swap3A_132, %swap3A_133] {strides = array<i32>} : memref<40x128xf32, #tpu.memory_space<vmem>>, vector<16xf32>,
        tpu.vector_store %arg13[%swap3A_132, %swap3A_133], %add3A_131 {strides = array<i32>} : memref<40x128xf32, #tpu.memory_space<vmem>>, vector<16xf32>,
        %get3A_135 = arith.index_cast %scan3A_71 : i32 to index
        %get3A_136 = arith.constant 32 : index
        %get3A_137 = tpu.vector_load %arg12[%get3A_135, %get3A_136] {strides = array<i32>} : memref<40x512xf32, #tpu.memory_space<vmem>>, vector<16xf32>,
        %mul3A_138 = vector.broadcast %squeeze3A : f32 to vector<16xf32>
        %mul3A_139 = arith.mulf %mul3A_138, %get3A_137 : vector<16xf32>
        %get3A_140 = arith.index_cast %scan3A_71 : i32 to index
        %get3A_141 = arith.constant 160 : index
        %get3A_142 = tpu.vector_load %arg12[%get3A_140, %get3A_141] {strides = array<i32>} : memref<40x512xf32, #tpu.memory_space<vmem>>, vector<16xf32>,
        %mul3A_143 = vector.broadcast %squeeze3A_79 : f32 to vector<16xf32>
        %mul3A_144 = arith.mulf %mul3A_143, %get3A_142 : vector<16xf32>
        %add3A_145 = arith.addf %mul3A_139, %mul3A_144 : vector<16xf32>
        %get3A_146 = arith.index_cast %scan3A_71 : i32 to index
        %get3A_147 = arith.constant 288 : index
        %get3A_148 = tpu.vector_load %arg12[%get3A_146, %get3A_147] {strides = array<i32>} : memref<40x512xf32, #tpu.memory_space<vmem>>, vector<16xf32>,
        %mul3A_149 = vector.broadcast %squeeze3A_81 : f32 to vector<16xf32>
        %mul3A_150 = arith.mulf %mul3A_149, %get3A_148 : vector<16xf32>
        %add3A_151 = arith.addf %add3A_145, %mul3A_150 : vector<16xf32>
        %get3A_152 = arith.index_cast %scan3A_71 : i32 to index
        %get3A_153 = arith.constant 416 : index
        %get3A_154 = tpu.vector_load %arg12[%get3A_152, %get3A_153] {strides = array<i32>} : memref<40x512xf32, #tpu.memory_space<vmem>>, vector<16xf32>,
        %mul3A_155 = vector.broadcast %squeeze3A_83 : f32 to vector<16xf32>
        %mul3A_156 = arith.mulf %mul3A_155, %get3A_154 : vector<16xf32>
        %add3A_157 = arith.addf %add3A_151, %mul3A_156 : vector<16xf32>
        %swap3A_158 = arith.index_cast %scan3A_71 : i32 to index
        %swap3A_159 = arith.constant 32 : index
        %swap3A_160 = tpu.vector_load %arg13[%swap3A_158, %swap3A_159] {strides = array<i32>} : memref<40x128xf32, #tpu.memory_space<vmem>>, vector<16xf32>,
        tpu.vector_store %arg13[%swap3A_158, %swap3A_159], %add3A_157 {strides = array<i32>} : memref<40x128xf32, #tpu.memory_space<vmem>>, vector<16xf32>,
        %get3A_161 = arith.index_cast %scan3A_71 : i32 to index
        %get3A_162 = arith.constant 48 : index
        %get3A_163 = tpu.vector_load %arg12[%get3A_161, %get3A_162] {strides = array<i32>} : memref<40x512xf32, #tpu.memory_space<vmem>>, vector<16xf32>,
        %mul3A_164 = vector.broadcast %squeeze3A : f32 to vector<16xf32>
        %mul3A_165 = arith.mulf %mul3A_164, %get3A_163 : vector<16xf32>
        %get3A_166 = arith.index_cast %scan3A_71 : i32 to index
        %get3A_167 = arith.constant 176 : index
        %get3A_168 = tpu.vector_load %arg12[%get3A_166, %get3A_167] {strides = array<i32>} : memref<40x512xf32, #tpu.memory_space<vmem>>, vector<16xf32>,
        %mul3A_169 = vector.broadcast %squeeze3A_79 : f32 to vector<16xf32>
        %mul3A_170 = arith.mulf %mul3A_169, %get3A_168 : vector<16xf32>
        %add3A_171 = arith.addf %mul3A_165, %mul3A_170 : vector<16xf32>
        %get3A_172 = arith.index_cast %scan3A_71 : i32 to index
        %get3A_173 = arith.constant 304 : index
        %get3A_174 = tpu.vector_load %arg12[%get3A_172, %get3A_173] {strides = array<i32>} : memref<40x512xf32, #tpu.memory_space<vmem>>, vector<16xf32>,
        %mul3A_175 = vector.broadcast %squeeze3A_81 : f32 to vector<16xf32>
        %mul3A_176 = arith.mulf %mul3A_175, %get3A_174 : vector<16xf32>
        %add3A_177 = arith.addf %add3A_171, %mul3A_176 : vector<16xf32>
        %get3A_178 = arith.index_cast %scan3A_71 : i32 to index
        %get3A_179 = arith.constant 432 : index
        %get3A_180 = tpu.vector_load %arg12[%get3A_178, %get3A_179] {strides = array<i32>} : memref<40x512xf32, #tpu.memory_space<vmem>>, vector<16xf32>,
        %mul3A_181 = vector.broadcast %squeeze3A_83 : f32 to vector<16xf32>
        %mul3A_182 = arith.mulf %mul3A_181, %get3A_180 : vector<16xf32>
        %add3A_183 = arith.addf %add3A_177, %mul3A_182 : vector<16xf32>
        %swap3A_184 = arith.index_cast %scan3A_71 : i32 to index
        %swap3A_185 = arith.constant 48 : index
        %swap3A_186 = tpu.vector_load %arg13[%swap3A_184, %swap3A_185] {strides = array<i32>} : memref<40x128xf32, #tpu.memory_space<vmem>>, vector<16xf32>,
        tpu.vector_store %arg13[%swap3A_184, %swap3A_185], %add3A_183 {strides = array<i32>} : memref<40x128xf32, #tpu.memory_space<vmem>>, vector<16xf32>,
        %get3A_187 = arith.index_cast %scan3A_71 : i32 to index
        %get3A_188 = arith.constant 64 : index
        %get3A_189 = tpu.vector_load %arg12[%get3A_187, %get3A_188] {strides = array<i32>} : memref<40x512xf32, #tpu.memory_space<vmem>>, vector<16xf32>,
        %mul3A_190 = vector.broadcast %squeeze3A : f32 to vector<16xf32>
        %mul3A_191 = arith.mulf %mul3A_190, %get3A_189 : vector<16xf32>
        %get3A_192 = arith.index_cast %scan3A_71 : i32 to index
        %get3A_193 = arith.constant 192 : index
        %get3A_194 = tpu.vector_load %arg12[%get3A_192, %get3A_193] {strides = array<i32>} : memref<40x512xf32, #tpu.memory_space<vmem>>, vector<16xf32>,
        %mul3A_195 = vector.broadcast %squeeze3A_79 : f32 to vector<16xf32>
        %mul3A_196 = arith.mulf %mul3A_195, %get3A_194 : vector<16xf32>
        %add3A_197 = arith.addf %mul3A_191, %mul3A_196 : vector<16xf32>
        %get3A_198 = arith.index_cast %scan3A_71 : i32 to index
        %get3A_199 = arith.constant 320 : index
        %get3A_200 = tpu.vector_load %arg12[%get3A_198, %get3A_199] {strides = array<i32>} : memref<40x512xf32, #tpu.memory_space<vmem>>, vector<16xf32>,
        %mul3A_201 = vector.broadcast %squeeze3A_81 : f32 to vector<16xf32>
        %mul3A_202 = arith.mulf %mul3A_201, %get3A_200 : vector<16xf32>
        %add3A_203 = arith.addf %add3A_197, %mul3A_202 : vector<16xf32>
        %get3A_204 = arith.index_cast %scan3A_71 : i32 to index
        %get3A_205 = arith.constant 448 : index
        %get3A_206 = tpu.vector_load %arg12[%get3A_204, %get3A_205] {strides = array<i32>} : memref<40x512xf32, #tpu.memory_space<vmem>>, vector<16xf32>,
        %mul3A_207 = vector.broadcast %squeeze3A_83 : f32 to vector<16xf32>
        %mul3A_208 = arith.mulf %mul3A_207, %get3A_206 : vector<16xf32>
        %add3A_209 = arith.addf %add3A_203, %mul3A_208 : vector<16xf32>
        %swap3A_210 = arith.index_cast %scan3A_71 : i32 to index
        %swap3A_211 = arith.constant 64 : index
        %swap3A_212 = tpu.vector_load %arg13[%swap3A_210, %swap3A_211] {strides = array<i32>} : memref<40x128xf32, #tpu.memory_space<vmem>>, vector<16xf32>,
        tpu.vector_store %arg13[%swap3A_210, %swap3A_211], %add3A_209 {strides = array<i32>} : memref<40x128xf32, #tpu.memory_space<vmem>>, vector<16xf32>,
        %get3A_213 = arith.index_cast %scan3A_71 : i32 to index
        %get3A_214 = arith.constant 80 : index
        %get3A_215 = tpu.vector_load %arg12[%get3A_213, %get3A_214] {strides = array<i32>} : memref<40x512xf32, #tpu.memory_space<vmem>>, vector<16xf32>,
        %mul3A_216 = vector.broadcast %squeeze3A : f32 to vector<16xf32>
        %mul3A_217 = arith.mulf %mul3A_216, %get3A_215 : vector<16xf32>
        %get3A_218 = arith.index_cast %scan3A_71 : i32 to index
        %get3A_219 = arith.constant 208 : index
        %get3A_220 = tpu.vector_load %arg12[%get3A_218, %get3A_219] {strides = array<i32>} : memref<40x512xf32, #tpu.memory_space<vmem>>, vector<16xf32>,
        %mul3A_221 = vector.broadcast %squeeze3A_79 : f32 to vector<16xf32>
        %mul3A_222 = arith.mulf %mul3A_221, %get3A_220 : vector<16xf32>
        %add3A_223 = arith.addf %mul3A_217, %mul3A_222 : vector<16xf32>
        %get3A_224 = arith.index_cast %scan3A_71 : i32 to index
        %get3A_225 = arith.constant 336 : index
        %get3A_226 = tpu.vector_load %arg12[%get3A_224, %get3A_225] {strides = array<i32>} : memref<40x512xf32, #tpu.memory_space<vmem>>, vector<16xf32>,
        %mul3A_227 = vector.broadcast %squeeze3A_81 : f32 to vector<16xf32>
        %mul3A_228 = arith.mulf %mul3A_227, %get3A_226 : vector<16xf32>
        %add3A_229 = arith.addf %add3A_223, %mul3A_228 : vector<16xf32>
        %get3A_230 = arith.index_cast %scan3A_71 : i32 to index
        %get3A_231 = arith.constant 464 : index
        %get3A_232 = tpu.vector_load %arg12[%get3A_230, %get3A_231] {strides = array<i32>} : memref<40x512xf32, #tpu.memory_space<vmem>>, vector<16xf32>,
        %mul3A_233 = vector.broadcast %squeeze3A_83 : f32 to vector<16xf32>
        %mul3A_234 = arith.mulf %mul3A_233, %get3A_232 : vector<16xf32>
        %add3A_235 = arith.addf %add3A_229, %mul3A_234 : vector<16xf32>
        %swap3A_236 = arith.index_cast %scan3A_71 : i32 to index
        %swap3A_237 = arith.constant 80 : index
        %swap3A_238 = tpu.vector_load %arg13[%swap3A_236, %swap3A_237] {strides = array<i32>} : memref<40x128xf32, #tpu.memory_space<vmem>>, vector<16xf32>,
        tpu.vector_store %arg13[%swap3A_236, %swap3A_237], %add3A_235 {strides = array<i32>} : memref<40x128xf32, #tpu.memory_space<vmem>>, vector<16xf32>,
        %get3A_239 = arith.index_cast %scan3A_71 : i32 to index
        %get3A_240 = arith.constant 96 : index
        %get3A_241 = tpu.vector_load %arg12[%get3A_239, %get3A_240] {strides = array<i32>} : memref<40x512xf32, #tpu.memory_space<vmem>>, vector<16xf32>,
        %mul3A_242 = vector.broadcast %squeeze3A : f32 to vector<16xf32>
        %mul3A_243 = arith.mulf %mul3A_242, %get3A_241 : vector<16xf32>
        %get3A_244 = arith.index_cast %scan3A_71 : i32 to index
        %get3A_245 = arith.constant 224 : index
        %get3A_246 = tpu.vector_load %arg12[%get3A_244, %get3A_245] {strides = array<i32>} : memref<40x512xf32, #tpu.memory_space<vmem>>, vector<16xf32>,
        %mul3A_247 = vector.broadcast %squeeze3A_79 : f32 to vector<16xf32>
        %mul3A_248 = arith.mulf %mul3A_247, %get3A_246 : vector<16xf32>
        %add3A_249 = arith.addf %mul3A_243, %mul3A_248 : vector<16xf32>
        %get3A_250 = arith.index_cast %scan3A_71 : i32 to index
        %get3A_251 = arith.constant 352 : index
        %get3A_252 = tpu.vector_load %arg12[%get3A_250, %get3A_251] {strides = array<i32>} : memref<40x512xf32, #tpu.memory_space<vmem>>, vector<16xf32>,
        %mul3A_253 = vector.broadcast %squeeze3A_81 : f32 to vector<16xf32>
        %mul3A_254 = arith.mulf %mul3A_253, %get3A_252 : vector<16xf32>
        %add3A_255 = arith.addf %add3A_249, %mul3A_254 : vector<16xf32>
        %get3A_256 = arith.index_cast %scan3A_71 : i32 to index
        %get3A_257 = arith.constant 480 : index
        %get3A_258 = tpu.vector_load %arg12[%get3A_256, %get3A_257] {strides = array<i32>} : memref<40x512xf32, #tpu.memory_space<vmem>>, vector<16xf32>,
        %mul3A_259 = vector.broadcast %squeeze3A_83 : f32 to vector<16xf32>
        %mul3A_260 = arith.mulf %mul3A_259, %get3A_258 : vector<16xf32>
        %add3A_261 = arith.addf %add3A_255, %mul3A_260 : vector<16xf32>
        %swap3A_262 = arith.index_cast %scan3A_71 : i32 to index
        %swap3A_263 = arith.constant 96 : index
        %swap3A_264 = tpu.vector_load %arg13[%swap3A_262, %swap3A_263] {strides = array<i32>} : memref<40x128xf32, #tpu.memory_space<vmem>>, vector<16xf32>,
        tpu.vector_store %arg13[%swap3A_262, %swap3A_263], %add3A_261 {strides = array<i32>} : memref<40x128xf32, #tpu.memory_space<vmem>>, vector<16xf32>,
        %get3A_265 = arith.index_cast %scan3A_71 : i32 to index
        %get3A_266 = arith.constant 112 : index
        %get3A_267 = tpu.vector_load %arg12[%get3A_265, %get3A_266] {strides = array<i32>} : memref<40x512xf32, #tpu.memory_space<vmem>>, vector<16xf32>,
        %mul3A_268 = vector.broadcast %squeeze3A : f32 to vector<16xf32>
        %mul3A_269 = arith.mulf %mul3A_268, %get3A_267 : vector<16xf32>
        %get3A_270 = arith.index_cast %scan3A_71 : i32 to index
        %get3A_271 = arith.constant 240 : index
        %get3A_272 = tpu.vector_load %arg12[%get3A_270, %get3A_271] {strides = array<i32>} : memref<40x512xf32, #tpu.memory_space<vmem>>, vector<16xf32>,
        %mul3A_273 = vector.broadcast %squeeze3A_79 : f32 to vector<16xf32>
        %mul3A_274 = arith.mulf %mul3A_273, %get3A_272 : vector<16xf32>
        %add3A_275 = arith.addf %mul3A_269, %mul3A_274 : vector<16xf32>
        %get3A_276 = arith.index_cast %scan3A_71 : i32 to index
        %get3A_277 = arith.constant 368 : index
        %get3A_278 = tpu.vector_load %arg12[%get3A_276, %get3A_277] {strides = array<i32>} : memref<40x512xf32, #tpu.memory_space<vmem>>, vector<16xf32>,
        %mul3A_279 = vector.broadcast %squeeze3A_81 : f32 to vector<16xf32>
        %mul3A_280 = arith.mulf %mul3A_279, %get3A_278 : vector<16xf32>
        %add3A_281 = arith.addf %add3A_275, %mul3A_280 : vector<16xf32>
        %get3A_282 = arith.index_cast %scan3A_71 : i32 to index
        %get3A_283 = arith.constant 496 : index
        %get3A_284 = tpu.vector_load %arg12[%get3A_282, %get3A_283] {strides = array<i32>} : memref<40x512xf32, #tpu.memory_space<vmem>>, vector<16xf32>,
        %mul3A_285 = vector.broadcast %squeeze3A_83 : f32 to vector<16xf32>
        %mul3A_286 = arith.mulf %mul3A_285, %get3A_284 : vector<16xf32>
        %add3A_287 = arith.addf %add3A_281, %mul3A_286 : vector<16xf32>
        %swap3A_288 = arith.index_cast %scan3A_71 : i32 to index
        %swap3A_289 = arith.constant 112 : index
        %swap3A_290 = tpu.vector_load %arg13[%swap3A_288, %swap3A_289] {strides = array<i32>} : memref<40x128xf32, #tpu.memory_space<vmem>>, vector<16xf32>,
        tpu.vector_store %arg13[%swap3A_288, %swap3A_289], %add3A_287 {strides = array<i32>} : memref<40x128xf32, #tpu.memory_space<vmem>>, vector<16xf32>,
      }
      %scan3A_69 = arith.constant 40 : i32
      "tpu.region"() ({
        %run_scoped3A = tpu.sem_alloc : memref<!tpu.dma_semaphore, #tpu.memory_space<semaphore_mem>>
        %dma_start3A_71 = arith.constant 0 : i32
        %dma_start3A_72 = tpu.memref_slice %arg9[%add3A_63, %dma_start3A_71] : memref<2x40xi32, #tpu.memory_space<vmem>> -> memref<1x40xi32, #tpu.memory_space<vmem>>
        %dma_start3A_73 = tpu.memref_squeeze %dma_start3A_72 : memref<1x40xi32, #tpu.memory_space<vmem>> -> memref<40xi32, #tpu.memory_space<vmem>>
        %dma_start3A_74 = arith.constant 0 : i32
        %dma_start3A_75 = arith.constant 0 : i32
        %dma_start3A_76 = tpu.memref_slice %arg14[%dma_start3A_74, %dma_start3A_75] : memref<10240x128xf32, #tpu.memory_space<vmem_shared>> -> memref<10240x128xf32, #tpu.memory_space<vmem_shared>>
        tpu.enqueue_indirect_dma source(%arg13 : memref<40x128xf32, #tpu.memory_space<vmem>>) target(%dma_start3A_76 : memref<10240x128xf32, #tpu.memory_space<vmem_shared>>) offsets(%dma_start3A_73 : memref<40xi32, #tpu.memory_space<vmem>>) semaphore(%run_scoped3A : memref<!tpu.dma_semaphore, #tpu.memory_space<semaphore_mem>>) {add = true}
        %dma_wait3A_77 = arith.constant 0 : i32
        %dma_wait3A_78 = tpu.memref_slice %arg9[%add3A_63, %dma_wait3A_77] : memref<2x40xi32, #tpu.memory_space<vmem>> -> memref<1x40xi32, #tpu.memory_space<vmem>>
        %dma_wait3A_79 = tpu.memref_squeeze %dma_wait3A_78 : memref<1x40xi32, #tpu.memory_space<vmem>> -> memref<40xi32, #tpu.memory_space<vmem>>
        %dma_wait3A_80 = arith.constant 0 : i32
        %dma_wait3A_81 = arith.constant 0 : i32
        %dma_wait3A_82 = tpu.memref_slice %arg14[%dma_wait3A_80, %dma_wait3A_81] : memref<10240x128xf32, #tpu.memory_space<vmem_shared>> -> memref<10240x128xf32, #tpu.memory_space<vmem_shared>>
        tpu.wait_indirect_dma semaphore(%run_scoped3A : memref<!tpu.dma_semaphore, #tpu.memory_space<semaphore_mem>>) src(%arg13 : memref<40x128xf32, #tpu.memory_space<vmem>>) dst(%dma_wait3A_82 : memref<10240x128xf32, #tpu.memory_space<vmem_shared>>)
        tpu.yield
      }) : () -> ()
      %scan3A_70 = arith.constant 1 : i32
    }
    %scan3A_11 = arith.constant 125 : i32
    %barrier3A_12 = arith.constant 0 : index
    tpu.barrier barrier_id(%barrier3A_12)
    %eq3A = arith.constant 0 : i32
    %eq3A_13 = arith.cmpi eq, %arg1, %eq3A : i32
    %convert_element_type3A = arith.extui %eq3A_13 : i1 to i32
    %cond3A = arith.constant 0 : i32
    %cond3A_14 = arith.cmpi ne, %convert_element_type3A, %cond3A : i32
    scf.if %cond3A_14 {
      "tpu.region"() ({
        %run_scoped3A = tpu.sem_alloc : memref<!tpu.dma_semaphore, #tpu.memory_space<semaphore_mem>>
        %dma_start3A = arith.constant 0 : i32
        %dma_start3A_15 = arith.constant 0 : i32
        %dma_start3A_16 = tpu.memref_slice %arg7[%arg0, %dma_start3A, %dma_start3A_15] : memref<2x10240x128xf32, #tpu.memory_space<hbm>> -> memref<1x10240x128xf32, #tpu.memory_space<hbm>>
        %dma_start3A_17 = tpu.memref_squeeze %dma_start3A_16 : memref<1x10240x128xf32, #tpu.memory_space<hbm>> -> memref<10240x128xf32, #tpu.memory_space<hbm>>
        tpu.enqueue_dma source(%arg14 : memref<10240x128xf32, #tpu.memory_space<vmem_shared>>) target(%dma_start3A_17 : memref<10240x128xf32, #tpu.memory_space<hbm>>) target_semaphore(%run_scoped3A : memref<!tpu.dma_semaphore, #tpu.memory_space<semaphore_mem>>)
        %dma_wait3A = arith.constant 0 : i32
        %dma_wait3A_18 = arith.constant 0 : i32
        %dma_wait3A_19 = tpu.memref_slice %arg7[%arg0, %dma_wait3A, %dma_wait3A_18] : memref<2x10240x128xf32, #tpu.memory_space<hbm>> -> memref<1x10240x128xf32, #tpu.memory_space<hbm>>
        %dma_wait3A_20 = tpu.memref_squeeze %dma_wait3A_19 : memref<1x10240x128xf32, #tpu.memory_space<hbm>> -> memref<10240x128xf32, #tpu.memory_space<hbm>>
        tpu.wait_dma2 semaphore(%run_scoped3A : memref<!tpu.dma_semaphore, #tpu.memory_space<semaphore_mem>>) src(%arg14 : memref<10240x128xf32, #tpu.memory_space<vmem_shared>>) dst(%dma_wait3A_20 : memref<10240x128xf32, #tpu.memory_space<hbm>>)
        tpu.yield
      }) : () -> ()
    } else {
    }
    return
  }
}

#map = affine_map<(d0, d1) -> (0)>
#map1 = affine_map<(d0, d1) -> (0, 0)>
module attributes {stable_mosaic.version = 14 : i64} {
  func.func @_k2(%arg0: i32, %arg1: i32, %arg2: memref<320000xi32, #tpu.memory_space<hbm>>, %arg3: memref<320000xi32, #tpu.memory_space<hbm>>, %arg4: memref<80000xf32, #tpu.memory_space<hbm>>, %arg5: memref<128xf32, #tpu.memory_space<hbm>>, %arg6: memref<1280000xf32, #tpu.memory_space<hbm>>, %arg7: memref<32x40960xf32, #tpu.memory_space<hbm>>, %arg8: memref<80000xf32, #tpu.memory_space<vmem>>, %arg9: memref<128xf32, #tpu.memory_space<vmem>>, %arg10: memref<1000xi32, #tpu.memory_space<vmem>>, %arg11: memref<1000xi32, #tpu.memory_space<vmem>>, %arg12: memref<4000xf32, #tpu.memory_space<vmem>>, %arg13: memref<40960xf32, #tpu.memory_space<vmem>>, %arg14: memref<!tpu.dma_semaphore, #tpu.memory_space<semaphore_mem>>) attributes {dimension_semantics = [#tpu.dimension_semantics<core_parallel>, #tpu.dimension_semantics<subcore_parallel>], iteration_bounds = array<i64: 2, 16>, scalar_prefetch = 0 : i64, scratch_operands = 7 : i64, tpu.core_type = #tpu.core_type<sc_vector_subcore>, window_params = [{transform_indices = #map}, {transform_indices = #map}, {transform_indices = #map}, {transform_indices = #map}, {transform_indices = #map}, {transform_indices = #map1}]} {
    %mul3A = arith.constant 2 : i32
    %mul3A_0 = arith.muli %arg1, %mul3A : i32
    %add3A = arith.addi %mul3A_0, %arg0 : i32
    "tpu.region"() ({
      %run_scoped3A = tpu.sem_alloc : memref<!tpu.dma_semaphore, #tpu.memory_space<semaphore_mem>>
      tpu.enqueue_dma source(%arg4 : memref<80000xf32, #tpu.memory_space<hbm>>) target(%arg8 : memref<80000xf32, #tpu.memory_space<vmem>>) target_semaphore(%run_scoped3A : memref<!tpu.dma_semaphore, #tpu.memory_space<semaphore_mem>>)
      tpu.wait_dma2 semaphore(%run_scoped3A : memref<!tpu.dma_semaphore, #tpu.memory_space<semaphore_mem>>) src(%arg4 : memref<80000xf32, #tpu.memory_space<hbm>>) dst(%arg8 : memref<80000xf32, #tpu.memory_space<vmem>>)
      tpu.yield
    }) : () -> ()
    "tpu.region"() ({
      %run_scoped3A = tpu.sem_alloc : memref<!tpu.dma_semaphore, #tpu.memory_space<semaphore_mem>>
      tpu.enqueue_dma source(%arg5 : memref<128xf32, #tpu.memory_space<hbm>>) target(%arg9 : memref<128xf32, #tpu.memory_space<vmem>>) target_semaphore(%run_scoped3A : memref<!tpu.dma_semaphore, #tpu.memory_space<semaphore_mem>>)
      tpu.wait_dma2 semaphore(%run_scoped3A : memref<!tpu.dma_semaphore, #tpu.memory_space<semaphore_mem>>) src(%arg5 : memref<128xf32, #tpu.memory_space<hbm>>) dst(%arg9 : memref<128xf32, #tpu.memory_space<vmem>>)
      tpu.yield
    }) : () -> ()
    %iota3A = tpu.iota {dimensions = array<i32: 0>} : vector<16xi32>
    %and3A = arith.constant 3 : i32
    %and3A_1 = vector.broadcast %and3A : i32 to vector<16xi32>
    %and3A_2 = arith.andi %iota3A, %and3A_1 : vector<16xi32>
    %shift_right_arithmetic3A = arith.constant 2 : i32
    %shift_right_arithmetic3A_3 = vector.broadcast %shift_right_arithmetic3A : i32 to vector<16xi32>
    %shift_right_arithmetic3A_4 = arith.shrsi %iota3A, %shift_right_arithmetic3A_3 : vector<16xi32>
    %broadcast_in_dim3A = arith.constant 0.000000e+00 : f32
    %broadcast_in_dim3A_5 = vector.broadcast %broadcast_in_dim3A : f32 to vector<16xf32>
    %scan3A = arith.constant 0 : i32
    %scan3A_6 = arith.constant 0 : i32
    %scan3A_7 = arith.constant 2560 : i32
    %scan3A_8 = arith.addi %scan3A_6, %scan3A_7 : i32
    %scan3A_9 = arith.constant 1 : i32
    scf.for %scan3A_40 = %scan3A_6 to %scan3A_8 step %scan3A_9  : i32 {
      %mul3A_41 = arith.constant 16 : i32
      %mul3A_42 = arith.muli %scan3A_40, %mul3A_41 : i32
      %swap3A = arith.index_cast %mul3A_42 : i32 to index
      %swap3A_43 = tpu.vector_load %arg13[%swap3A] {strides = array<i32>} : memref<40960xf32, #tpu.memory_space<vmem>>, vector<16xf32>,
      tpu.vector_store %arg13[%swap3A], %broadcast_in_dim3A_5 {strides = array<i32>} : memref<40960xf32, #tpu.memory_space<vmem>>, vector<16xf32>,
    }
    %scan3A_10 = arith.constant 2560 : i32
    %gather3A = tpu.vector_load_idx %arg9[%and3A_2] : memref<128xf32, #tpu.memory_space<vmem>>[vector<16xi32>], vector<16xf32>,
    %add3A_11 = arith.constant 4 : i32
    %add3A_12 = vector.broadcast %add3A_11 : i32 to vector<16xi32>
    %add3A_13 = arith.addi %and3A_2, %add3A_12 : vector<16xi32>
    %gather3A_14 = tpu.vector_load_idx %arg9[%add3A_13] : memref<128xf32, #tpu.memory_space<vmem>>[vector<16xi32>], vector<16xf32>,
    %add3A_15 = arith.addf %gather3A, %gather3A_14 : vector<16xf32>
    %ge3A = arith.constant 0.000000e+00 : f32
    %ge3A_16 = vector.broadcast %ge3A : f32 to vector<16xf32>
    %ge3A_17 = arith.cmpf oge, %add3A_15, %ge3A_16 : vector<16xf32>
    %mul3A_18 = arith.constant 2.000000e-01 : f32
    %mul3A_19 = vector.broadcast %mul3A_18 : f32 to vector<16xf32>
    %mul3A_20 = arith.mulf %mul3A_19, %add3A_15 : vector<16xf32>
    %select_n3A = arith.select %ge3A_17, %add3A_15, %mul3A_20 : vector<16xi1>, vector<16xf32>
    %eq3A = arith.constant 0 : i32
    %eq3A_21 = vector.broadcast %eq3A : i32 to vector<16xi32>
    %eq3A_22 = arith.cmpi eq, %shift_right_arithmetic3A_4, %eq3A_21 : vector<16xi32>
    %eq3A_23 = arith.constant 1 : i32
    %eq3A_24 = vector.broadcast %eq3A_23 : i32 to vector<16xi32>
    %eq3A_25 = arith.cmpi eq, %shift_right_arithmetic3A_4, %eq3A_24 : vector<16xi32>
    %eq3A_26 = arith.constant 2 : i32
    %eq3A_27 = vector.broadcast %eq3A_26 : i32 to vector<16xi32>
    %eq3A_28 = arith.cmpi eq, %shift_right_arithmetic3A_4, %eq3A_27 : vector<16xi32>
    %eq3A_29 = arith.constant 3 : i32
    %eq3A_30 = vector.broadcast %eq3A_29 : i32 to vector<16xi32>
    %eq3A_31 = arith.cmpi eq, %shift_right_arithmetic3A_4, %eq3A_30 : vector<16xi32>
    %mul3A_32 = arith.constant 10000 : i32
    %mul3A_33 = arith.muli %add3A, %mul3A_32 : i32
    %scan3A_34 = arith.constant 0 : i32
    %scan3A_35 = arith.constant 0 : i32
    %scan3A_36 = arith.constant 10 : i32
    %scan3A_37 = arith.addi %scan3A_35, %scan3A_36 : i32
    %scan3A_38 = arith.constant 1 : i32
    scf.for %scan3A_40 = %scan3A_35 to %scan3A_37 step %scan3A_38  : i32 {
      %mul3A_41 = arith.constant 1000 : i32
      %mul3A_42 = arith.muli %scan3A_40, %mul3A_41 : i32
      %add3A_43 = arith.addi %mul3A_33, %mul3A_42 : i32
      %multiple_of3A = tpu.assume_multiple %add3A_43, 8 : i32
      "tpu.region"() ({
        %run_scoped3A = tpu.sem_alloc : memref<!tpu.dma_semaphore, #tpu.memory_space<semaphore_mem>>
        %dma_start3A = tpu.memref_slice %arg2[%multiple_of3A] : memref<320000xi32, #tpu.memory_space<hbm>> -> memref<1000xi32, #tpu.memory_space<hbm>>
        %dma_start3A_53 = tpu.memref_slice %arg2[%multiple_of3A] : memref<320000xi32, #tpu.memory_space<hbm>> -> memref<1000xi32, #tpu.memory_space<hbm>>
        tpu.enqueue_dma source(%dma_start3A_53 : memref<1000xi32, #tpu.memory_space<hbm>>) target(%arg10 : memref<1000xi32, #tpu.memory_space<vmem>>) target_semaphore(%run_scoped3A : memref<!tpu.dma_semaphore, #tpu.memory_space<semaphore_mem>>)
        %dma_wait3A = tpu.memref_slice %arg2[%multiple_of3A] : memref<320000xi32, #tpu.memory_space<hbm>> -> memref<1000xi32, #tpu.memory_space<hbm>>
        %dma_wait3A_54 = tpu.memref_slice %arg2[%multiple_of3A] : memref<320000xi32, #tpu.memory_space<hbm>> -> memref<1000xi32, #tpu.memory_space<hbm>>
        tpu.wait_dma2 semaphore(%run_scoped3A : memref<!tpu.dma_semaphore, #tpu.memory_space<semaphore_mem>>) src(%dma_wait3A_54 : memref<1000xi32, #tpu.memory_space<hbm>>) dst(%arg10 : memref<1000xi32, #tpu.memory_space<vmem>>)
        tpu.yield
      }) : () -> ()
      "tpu.region"() ({
        %run_scoped3A = tpu.sem_alloc : memref<!tpu.dma_semaphore, #tpu.memory_space<semaphore_mem>>
        %dma_start3A = tpu.memref_slice %arg3[%multiple_of3A] : memref<320000xi32, #tpu.memory_space<hbm>> -> memref<1000xi32, #tpu.memory_space<hbm>>
        %dma_start3A_53 = tpu.memref_slice %arg3[%multiple_of3A] : memref<320000xi32, #tpu.memory_space<hbm>> -> memref<1000xi32, #tpu.memory_space<hbm>>
        tpu.enqueue_dma source(%dma_start3A_53 : memref<1000xi32, #tpu.memory_space<hbm>>) target(%arg11 : memref<1000xi32, #tpu.memory_space<vmem>>) target_semaphore(%run_scoped3A : memref<!tpu.dma_semaphore, #tpu.memory_space<semaphore_mem>>)
        %dma_wait3A = tpu.memref_slice %arg3[%multiple_of3A] : memref<320000xi32, #tpu.memory_space<hbm>> -> memref<1000xi32, #tpu.memory_space<hbm>>
        %dma_wait3A_54 = tpu.memref_slice %arg3[%multiple_of3A] : memref<320000xi32, #tpu.memory_space<hbm>> -> memref<1000xi32, #tpu.memory_space<hbm>>
        tpu.wait_dma2 semaphore(%run_scoped3A : memref<!tpu.dma_semaphore, #tpu.memory_space<semaphore_mem>>) src(%dma_wait3A_54 : memref<1000xi32, #tpu.memory_space<hbm>>) dst(%arg11 : memref<1000xi32, #tpu.memory_space<vmem>>)
        tpu.yield
      }) : () -> ()
      %scan3A_44 = arith.constant 0 : i32
      %scan3A_45 = arith.constant 0 : i32
      %scan3A_46 = arith.constant 250 : i32
      %scan3A_47 = arith.addi %scan3A_45, %scan3A_46 : i32
      %scan3A_48 = arith.constant 1 : i32
      scf.for %scan3A_53 = %scan3A_45 to %scan3A_47 step %scan3A_48  : i32 {
        %mul3A_54 = arith.constant 4 : i32
        %mul3A_55 = arith.muli %scan3A_53, %mul3A_54 : i32
        %add3A_56 = vector.broadcast %mul3A_55 : i32 to vector<16xi32>
        %add3A_57 = arith.addi %add3A_56, %shift_right_arithmetic3A_4 : vector<16xi32>
        %gather3A_58 = tpu.vector_load_idx %arg10[%add3A_57] : memref<1000xi32, #tpu.memory_space<vmem>>[vector<16xi32>], vector<16xi32>,
        %gather3A_59 = tpu.vector_load_idx %arg11[%add3A_57] : memref<1000xi32, #tpu.memory_space<vmem>>[vector<16xi32>], vector<16xi32>,
        %mul3A_60 = arith.constant 8 : i32
        %mul3A_61 = vector.broadcast %mul3A_60 : i32 to vector<16xi32>
        %mul3A_62 = arith.muli %gather3A_58, %mul3A_61 : vector<16xi32>
        %add3A_63 = arith.addi %mul3A_62, %and3A_2 : vector<16xi32>
        %gather3A_64 = tpu.vector_load_idx %arg8[%add3A_63] : memref<80000xf32, #tpu.memory_space<vmem>>[vector<16xi32>], vector<16xf32>,
        %mul3A_65 = arith.constant 8 : i32
        %mul3A_66 = vector.broadcast %mul3A_65 : i32 to vector<16xi32>
        %mul3A_67 = arith.muli %gather3A_59, %mul3A_66 : vector<16xi32>
        %add3A_68 = arith.constant 4 : i32
        %add3A_69 = vector.broadcast %add3A_68 : i32 to vector<16xi32>
        %add3A_70 = arith.addi %mul3A_67, %add3A_69 : vector<16xi32>
        %add3A_71 = arith.addi %add3A_70, %and3A_2 : vector<16xi32>
        %gather3A_72 = tpu.vector_load_idx %arg8[%add3A_71] : memref<80000xf32, #tpu.memory_space<vmem>>[vector<16xi32>], vector<16xf32>,
        %add3A_73 = arith.addf %gather3A_64, %gather3A_72 : vector<16xf32>
        %ge3A_74 = arith.constant 0.000000e+00 : f32
        %ge3A_75 = vector.broadcast %ge3A_74 : f32 to vector<16xf32>
        %ge3A_76 = arith.cmpf oge, %add3A_73, %ge3A_75 : vector<16xf32>
        %mul3A_77 = arith.constant 2.000000e-01 : f32
        %mul3A_78 = vector.broadcast %mul3A_77 : f32 to vector<16xf32>
        %mul3A_79 = arith.mulf %mul3A_78, %add3A_73 : vector<16xf32>
        %select_n3A_80 = arith.select %ge3A_76, %add3A_73, %mul3A_79 : vector<16xi1>, vector<16xf32>
        %sub3A = arith.subf %select_n3A_80, %select_n3A : vector<16xf32>
        %exp3A = math.exp %sub3A : vector<16xf32>
        %mul3A_81 = arith.constant 16 : i32
        %mul3A_82 = arith.muli %scan3A_53, %mul3A_81 : i32
        %swap3A = arith.index_cast %mul3A_82 : i32 to index
        %swap3A_83 = tpu.vector_load %arg12[%swap3A] {strides = array<i32>} : memref<4000xf32, #tpu.memory_space<vmem>>, vector<16xf32>,
        tpu.vector_store %arg12[%swap3A], %exp3A {strides = array<i32>} : memref<4000xf32, #tpu.memory_space<vmem>>, vector<16xf32>,
        %mul3A_84 = arith.constant 4 : i32
        %mul3A_85 = vector.broadcast %mul3A_84 : i32 to vector<16xi32>
        %mul3A_86 = arith.muli %gather3A_59, %mul3A_85 : vector<16xi32>
        %add3A_87 = arith.addi %mul3A_86, %and3A_2 : vector<16xi32>
        tpu.vector_store_idx %arg13[%add3A_87], %exp3A masked %eq3A_22 {add = true} : memref<40960xf32, #tpu.memory_space<vmem>>[vector<16xi32>], vector<16xf32>, vector<16xi1>
        tpu.vector_store_idx %arg13[%add3A_87], %exp3A masked %eq3A_25 {add = true} : memref<40960xf32, #tpu.memory_space<vmem>>[vector<16xi32>], vector<16xf32>, vector<16xi1>
        tpu.vector_store_idx %arg13[%add3A_87], %exp3A masked %eq3A_28 {add = true} : memref<40960xf32, #tpu.memory_space<vmem>>[vector<16xi32>], vector<16xf32>, vector<16xi1>
        tpu.vector_store_idx %arg13[%add3A_87], %exp3A masked %eq3A_31 {add = true} : memref<40960xf32, #tpu.memory_space<vmem>>[vector<16xi32>], vector<16xf32>, vector<16xi1>
      }
      %scan3A_49 = arith.constant 250 : i32
      %mul3A_50 = arith.constant 4 : i32
      %mul3A_51 = arith.muli %multiple_of3A, %mul3A_50 : i32
      %multiple_of3A_52 = tpu.assume_multiple %mul3A_51, 8 : i32
      "tpu.region"() ({
        %run_scoped3A = tpu.sem_alloc : memref<!tpu.dma_semaphore, #tpu.memory_space<semaphore_mem>>
        %dma_start3A = tpu.memref_slice %arg6[%multiple_of3A_52] : memref<1280000xf32, #tpu.memory_space<hbm>> -> memref<4000xf32, #tpu.memory_space<hbm>>
        %dma_start3A_53 = tpu.memref_slice %arg6[%multiple_of3A_52] : memref<1280000xf32, #tpu.memory_space<hbm>> -> memref<4000xf32, #tpu.memory_space<hbm>>
        tpu.enqueue_dma source(%arg12 : memref<4000xf32, #tpu.memory_space<vmem>>) target(%dma_start3A_53 : memref<4000xf32, #tpu.memory_space<hbm>>) target_semaphore(%run_scoped3A : memref<!tpu.dma_semaphore, #tpu.memory_space<semaphore_mem>>)
        %dma_wait3A = tpu.memref_slice %arg6[%multiple_of3A_52] : memref<1280000xf32, #tpu.memory_space<hbm>> -> memref<4000xf32, #tpu.memory_space<hbm>>
        %dma_wait3A_54 = tpu.memref_slice %arg6[%multiple_of3A_52] : memref<1280000xf32, #tpu.memory_space<hbm>> -> memref<4000xf32, #tpu.memory_space<hbm>>
        tpu.wait_dma2 semaphore(%run_scoped3A : memref<!tpu.dma_semaphore, #tpu.memory_space<semaphore_mem>>) src(%arg12 : memref<4000xf32, #tpu.memory_space<vmem>>) dst(%dma_wait3A_54 : memref<4000xf32, #tpu.memory_space<hbm>>)
        tpu.yield
      }) : () -> ()
    }
    %scan3A_39 = arith.constant 10 : i32
    "tpu.region"() ({
      %run_scoped3A = tpu.sem_alloc : memref<!tpu.dma_semaphore, #tpu.memory_space<semaphore_mem>>
      %dma_start3A = arith.constant 0 : i32
      %dma_start3A_40 = tpu.memref_slice %arg7[%add3A, %dma_start3A] : memref<32x40960xf32, #tpu.memory_space<hbm>> -> memref<1x40960xf32, #tpu.memory_space<hbm>>
      %dma_start3A_41 = tpu.memref_squeeze %dma_start3A_40 : memref<1x40960xf32, #tpu.memory_space<hbm>> -> memref<40960xf32, #tpu.memory_space<hbm>>
      %dma_start3A_42 = arith.constant 0 : i32
      %dma_start3A_43 = tpu.memref_slice %arg7[%add3A, %dma_start3A_42] : memref<32x40960xf32, #tpu.memory_space<hbm>> -> memref<1x40960xf32, #tpu.memory_space<hbm>>
      %dma_start3A_44 = tpu.memref_squeeze %dma_start3A_43 : memref<1x40960xf32, #tpu.memory_space<hbm>> -> memref<40960xf32, #tpu.memory_space<hbm>>
      tpu.enqueue_dma source(%arg13 : memref<40960xf32, #tpu.memory_space<vmem>>) target(%dma_start3A_44 : memref<40960xf32, #tpu.memory_space<hbm>>) target_semaphore(%run_scoped3A : memref<!tpu.dma_semaphore, #tpu.memory_space<semaphore_mem>>)
      %dma_wait3A = arith.constant 0 : i32
      %dma_wait3A_45 = tpu.memref_slice %arg7[%add3A, %dma_wait3A] : memref<32x40960xf32, #tpu.memory_space<hbm>> -> memref<1x40960xf32, #tpu.memory_space<hbm>>
      %dma_wait3A_46 = tpu.memref_squeeze %dma_wait3A_45 : memref<1x40960xf32, #tpu.memory_space<hbm>> -> memref<40960xf32, #tpu.memory_space<hbm>>
      %dma_wait3A_47 = arith.constant 0 : i32
      %dma_wait3A_48 = tpu.memref_slice %arg7[%add3A, %dma_wait3A_47] : memref<32x40960xf32, #tpu.memory_space<hbm>> -> memref<1x40960xf32, #tpu.memory_space<hbm>>
      %dma_wait3A_49 = tpu.memref_squeeze %dma_wait3A_48 : memref<1x40960xf32, #tpu.memory_space<hbm>> -> memref<40960xf32, #tpu.memory_space<hbm>>
      tpu.wait_dma2 semaphore(%run_scoped3A : memref<!tpu.dma_semaphore, #tpu.memory_space<semaphore_mem>>) src(%arg13 : memref<40960xf32, #tpu.memory_space<vmem>>) dst(%dma_wait3A_49 : memref<40960xf32, #tpu.memory_space<hbm>>)
      tpu.yield
    }) : () -> ()
    return
  }
}

module attributes {stable_mosaic.version = 14 : i64} {
  func.func @_k1_body(%arg0: i32, %arg1: memref<1000x128xf32, #tpu.memory_space<vmem>>, %arg2: memref<128x512xf32, #tpu.memory_space<vmem>>, %arg3: memref<512x8xf32, #tpu.memory_space<vmem>>, %arg4: memref<1000x512xf32, #tpu.memory_space<vmem>>, %arg5: memref<1000x8xf32, #tpu.memory_space<vmem>>, %arg6: memref<1x128xf32, #tpu.memory_space<vmem>>) attributes {dimension_semantics = [#tpu.dimension_semantics<arbitrary>], iteration_bounds = array<i64: 10>, scalar_prefetch = 0 : i64, scratch_operands = 0 : i64, tpu.core_type = #tpu.core_type<tc>, window_params = [{transform_indices = @transform_0, window_bounds = array<i64: 1000, 128>}, {pipeline_mode = #tpu.pipeline_mode<synchronous>, transform_indices = @transform_1, window_bounds = array<i64: 128, 512>}, {pipeline_mode = #tpu.pipeline_mode<synchronous>, transform_indices = @transform_2, window_bounds = array<i64: 512, 8>}, {transform_indices = @transform_3, window_bounds = array<i64: 1000, 512>}, {transform_indices = @transform_4, window_bounds = array<i64: 1000, 8>}, {pipeline_mode = #tpu.pipeline_mode<synchronous>, transform_indices = @transform_5, window_bounds = array<i64: 1, 128>}]} {
    %get3A = arith.constant 0 : index
    %get3A_0 = arith.constant 0 : index
    %get3A_1 = vector.load %arg1[%get3A, %get3A_0] : memref<1000x128xf32, #tpu.memory_space<vmem>>, vector<1000x128xf32>
    %get3A_2 = arith.constant 0 : index
    %get3A_3 = arith.constant 0 : index
    %get3A_4 = vector.load %arg2[%get3A_2, %get3A_3] : memref<128x512xf32, #tpu.memory_space<vmem>>, vector<128x512xf32>
    %dot_general3A = arith.constant dense<0.000000e+00> : vector<1000x512xf32>
    %dot_general3A_5 = tpu.matmul %get3A_1, %get3A_4, %dot_general3A {dimension_numbers = #tpu.dot_dimension_numbers<[1], [0], [0], [1], [0, 0, 1, 1], [], []>, transpose_lhs_hint = false} : vector<1000x128xf32>, vector<128x512xf32>, vector<1000x512xf32> -> vector<1000x512xf32>
    %swap3A = arith.constant 0 : index
    %swap3A_6 = arith.constant 0 : index
    %swap3A_7 = vector.load %arg4[%swap3A, %swap3A_6] : memref<1000x512xf32, #tpu.memory_space<vmem>>, vector<1000x512xf32>
    tpu.vector_store %arg4[%swap3A, %swap3A_6], %dot_general3A_5 {strides = array<i32>} : memref<1000x512xf32, #tpu.memory_space<vmem>>, vector<1000x512xf32>,
    %get3A_8 = arith.constant 0 : index
    %get3A_9 = arith.constant 0 : index
    %get3A_10 = vector.load %arg3[%get3A_8, %get3A_9] : memref<512x8xf32, #tpu.memory_space<vmem>>, vector<512x8xf32>
    %dot_general3A_11 = arith.constant dense<0.000000e+00> : vector<1000x8xf32>
    %dot_general3A_12 = tpu.matmul %dot_general3A_5, %get3A_10, %dot_general3A_11 {dimension_numbers = #tpu.dot_dimension_numbers<[1], [0], [0], [1], [0, 0, 1, 1], [], []>, transpose_lhs_hint = false} : vector<1000x512xf32>, vector<512x8xf32>, vector<1000x8xf32> -> vector<1000x8xf32>
    %swap3A_13 = arith.constant 0 : index
    %swap3A_14 = arith.constant 0 : index
    %swap3A_15 = vector.load %arg5[%swap3A_13, %swap3A_14] : memref<1000x8xf32, #tpu.memory_space<vmem>>, vector<1000x8xf32>
    tpu.vector_store %arg5[%swap3A_13, %swap3A_14], %dot_general3A_12 {strides = array<i32>} : memref<1000x8xf32, #tpu.memory_space<vmem>>, vector<1000x8xf32>,
    %reduce_max3A = arith.constant dense<0xFF800000> : vector<8xf32>
    %reduce_max3A_16 = vector.multi_reduction <maximumf>, %dot_general3A_12, %reduce_max3A [0] : vector<1000x8xf32> to vector<8xf32>
    %broadcast_in_dim3A = vector.shape_cast %reduce_max3A_16 : vector<8xf32> to vector<1x8xf32>
    %broadcast_in_dim3A_17 = arith.constant 0.000000e+00 : f32
    %broadcast_in_dim3A_18 = vector.broadcast %broadcast_in_dim3A_17 : f32 to vector<1x120xf32>
    %concatenate3A = tpu.concatenate %broadcast_in_dim3A, %broadcast_in_dim3A_18 in 1 : vector<1x8xf32>, vector<1x120xf32> -> vector<1x128xf32>
    %eq3A = arith.constant 0 : i32
    %eq3A_19 = arith.cmpi eq, %arg0, %eq3A : i32
    %convert_element_type3A = arith.extui %eq3A_19 : i1 to i32
    %cond3A = arith.constant 0 : i32
    %cond3A_20 = arith.cmpi ne, %convert_element_type3A, %cond3A : i32
    scf.if %cond3A_20 {
      %swap3A_25 = arith.constant 0 : index
      %swap3A_26 = arith.constant 0 : index
      %swap3A_27 = vector.load %arg6[%swap3A_25, %swap3A_26] : memref<1x128xf32, #tpu.memory_space<vmem>>, vector<1x128xf32>
      tpu.vector_store %arg6[%swap3A_25, %swap3A_26], %concatenate3A {strides = array<i32>} : memref<1x128xf32, #tpu.memory_space<vmem>>, vector<1x128xf32>,
    } else {
    }
    %ne3A = arith.constant 0 : i32
    %ne3A_21 = arith.cmpi ne, %arg0, %ne3A : i32
    %convert_element_type3A_22 = arith.extui %ne3A_21 : i1 to i32
    %cond3A_23 = arith.constant 0 : i32
    %cond3A_24 = arith.cmpi ne, %convert_element_type3A_22, %cond3A_23 : i32
    scf.if %cond3A_24 {
      %get3A_25 = arith.constant 0 : index
      %get3A_26 = arith.constant 0 : index
      %get3A_27 = vector.load %arg6[%get3A_25, %get3A_26] : memref<1x128xf32, #tpu.memory_space<vmem>>, vector<1x128xf32>
      %max3A = arith.maximumf %get3A_27, %concatenate3A : vector<1x128xf32>
      %swap3A_28 = arith.constant 0 : index
      %swap3A_29 = arith.constant 0 : index
      %swap3A_30 = vector.load %arg6[%swap3A_28, %swap3A_29] : memref<1x128xf32, #tpu.memory_space<vmem>>, vector<1x128xf32>
      tpu.vector_store %arg6[%swap3A_28, %swap3A_29], %max3A {strides = array<i32>} : memref<1x128xf32, #tpu.memory_space<vmem>>, vector<1x128xf32>,
    } else {
    }
    return
  }
  func.func @transform_0(%arg0: i32) -> (i32, i32) {
    %c0_i32 = arith.constant 0 : i32
    %c0_i32_0 = arith.constant 0 : i32
    return %arg0, %c0_i32 : i32, i32
  }
  func.func @transform_1(%arg0: i32) -> (i32, i32) {
    %c0_i32 = arith.constant 0 : i32
    %c0_i32_0 = arith.constant 0 : i32
    %c0_i32_1 = arith.constant 0 : i32
    return %c0_i32, %c0_i32_0 : i32, i32
  }
  func.func @transform_2(%arg0: i32) -> (i32, i32) {
    %c0_i32 = arith.constant 0 : i32
    %c0_i32_0 = arith.constant 0 : i32
    %c0_i32_1 = arith.constant 0 : i32
    return %c0_i32, %c0_i32_0 : i32, i32
  }
  func.func @transform_3(%arg0: i32) -> (i32, i32) {
    %c0_i32 = arith.constant 0 : i32
    %c0_i32_0 = arith.constant 0 : i32
    return %arg0, %c0_i32 : i32, i32
  }
  func.func @transform_4(%arg0: i32) -> (i32, i32) {
    %c0_i32 = arith.constant 0 : i32
    %c0_i32_0 = arith.constant 0 : i32
    return %arg0, %c0_i32 : i32, i32
  }
  func.func @transform_5(%arg0: i32) -> (i32, i32) {
    %c0_i32 = arith.constant 0 : i32
    %c0_i32_0 = arith.constant 0 : i32
    %c0_i32_1 = arith.constant 0 : i32
    return %c0_i32, %c0_i32_0 : i32, i32
  }
}

module attributes {stable_mosaic.version = 14 : i64} {
  func.func @_k2b_body(%arg0: memref<32x320x128xf32, #tpu.memory_space<vmem>>, %arg1: memref<320x128xf32, #tpu.memory_space<vmem>>) attributes {dimension_semantics = [], scalar_prefetch = 0 : i64, scratch_operands = 0 : i64, tpu.core_type = #tpu.core_type<tc>} {
    %get3A = arith.constant 0 : index
    %get3A_0 = arith.constant 0 : index
    %get3A_1 = arith.constant 0 : index
    %get3A_2 = vector.load %arg0[%get3A, %get3A_0, %get3A_1] : memref<32x320x128xf32, #tpu.memory_space<vmem>>, vector<32x320x128xf32>
    %reduce_sum3A = arith.constant dense<0.000000e+00> : vector<320x128xf32>
    %reduce_sum3A_3 = vector.multi_reduction <add>, %get3A_2, %reduce_sum3A [0] : vector<32x320x128xf32> to vector<320x128xf32>
    %div3A = arith.constant 1.000000e+00 : f32
    %div3A_4 = vector.broadcast %div3A : f32 to vector<320x128xf32>
    %div3A_5 = arith.divf %div3A_4, %reduce_sum3A_3 : vector<320x128xf32>
    %swap3A = arith.constant 0 : index
    %swap3A_6 = arith.constant 0 : index
    %swap3A_7 = vector.load %arg1[%swap3A, %swap3A_6] : memref<320x128xf32, #tpu.memory_space<vmem>>, vector<320x128xf32>
    tpu.vector_store %arg1[%swap3A, %swap3A_6], %div3A_5 {strides = array<i32>} : memref<320x128xf32, #tpu.memory_space<vmem>>, vector<320x128xf32>,
    return
  }
}

module attributes {stable_mosaic.version = 14 : i64} {
  func.func @_k4_body(%arg0: i32, %arg1: memref<1000x128xf32, #tpu.memory_space<vmem>>, %arg2: memref<1000x128xf32, #tpu.memory_space<vmem>>, %arg3: memref<4x128xf32, #tpu.memory_space<vmem>>, %arg4: memref<1000x128xf32, #tpu.memory_space<vmem>>) attributes {dimension_semantics = [#tpu.dimension_semantics<arbitrary>], iteration_bounds = array<i64: 10>, scalar_prefetch = 0 : i64, scratch_operands = 0 : i64, tpu.core_type = #tpu.core_type<tc>, window_params = [{transform_indices = @transform_0, window_bounds = array<i64: 1000, 128>}, {transform_indices = @transform_1, window_bounds = array<i64: 1000, 128>}, {pipeline_mode = #tpu.pipeline_mode<synchronous>, transform_indices = @transform_2, window_bounds = array<i64: 4, 128>}, {transform_indices = @transform_3, window_bounds = array<i64: 1000, 128>}]} {
    %get3A = arith.constant 0 : index
    %get3A_0 = arith.constant 0 : index
    %get3A_1 = vector.load %arg3[%get3A, %get3A_0] : memref<4x128xf32, #tpu.memory_space<vmem>>, vector<4x128xf32>
    %reduce_sum3A = arith.constant dense<0.000000e+00> : vector<128xf32>
    %reduce_sum3A_2 = vector.multi_reduction <add>, %get3A_1, %reduce_sum3A [0] : vector<4x128xf32> to vector<128xf32>
    %broadcast_in_dim3A = vector.shape_cast %reduce_sum3A_2 : vector<128xf32> to vector<1x128xf32>
    %div3A = arith.constant 4.000000e+00 : f32
    %div3A_3 = vector.broadcast %div3A : f32 to vector<1x128xf32>
    %div3A_4 = arith.divf %broadcast_in_dim3A, %div3A_3 : vector<1x128xf32>
    %get3A_5 = arith.constant 0 : index
    %get3A_6 = arith.constant 0 : index
    %get3A_7 = vector.load %arg1[%get3A_5, %get3A_6] : memref<1000x128xf32, #tpu.memory_space<vmem>>, vector<1000x128xf32>
    %get3A_8 = arith.constant 0 : index
    %get3A_9 = arith.constant 0 : index
    %get3A_10 = vector.load %arg2[%get3A_8, %get3A_9] : memref<1000x128xf32, #tpu.memory_space<vmem>>, vector<1000x128xf32>
    %add3A = arith.addf %get3A_7, %get3A_10 : vector<1000x128xf32>
    %mul3A = arith.constant 2.500000e-01 : f32
    %mul3A_11 = vector.broadcast %mul3A : f32 to vector<1000x128xf32>
    %mul3A_12 = arith.mulf %mul3A_11, %add3A : vector<1000x128xf32>
    %add3A_13 = vector.broadcast %div3A_4 : vector<1x128xf32> to vector<1000x128xf32>
    %add3A_14 = arith.addf %mul3A_12, %add3A_13 : vector<1000x128xf32>
    %swap3A = arith.constant 0 : index
    %swap3A_15 = arith.constant 0 : index
    %swap3A_16 = vector.load %arg4[%swap3A, %swap3A_15] : memref<1000x128xf32, #tpu.memory_space<vmem>>, vector<1000x128xf32>
    tpu.vector_store %arg4[%swap3A, %swap3A_15], %add3A_14 {strides = array<i32>} : memref<1000x128xf32, #tpu.memory_space<vmem>>, vector<1000x128xf32>,
    return
  }
  func.func @transform_0(%arg0: i32) -> (i32, i32) {
    %c0_i32 = arith.constant 0 : i32
    %c0_i32_0 = arith.constant 0 : i32
    return %arg0, %c0_i32 : i32, i32
  }
  func.func @transform_1(%arg0: i32) -> (i32, i32) {
    %c0_i32 = arith.constant 0 : i32
    %c0_i32_0 = arith.constant 0 : i32
    return %arg0, %c0_i32 : i32, i32
  }
  func.func @transform_2(%arg0: i32) -> (i32, i32) {
    %c0_i32 = arith.constant 0 : i32
    %c0_i32_0 = arith.constant 0 : i32
    %c0_i32_1 = arith.constant 0 : i32
    return %c0_i32, %c0_i32_0 : i32, i32
  }
  func.func @transform_3(%arg0: i32) -> (i32, i32) {
    %c0_i32 = arith.constant 0 : i32
    %c0_i32_0 = arith.constant 0 : i32
    return %arg0, %c0_i32 : i32, i32
  }
}

</mosaic_0001>

<sc_bundles>
// kernel: kernel.11.cloned.1.call-start
scs
__scs_entry_jumppad:
0x0: {  	(pc) =	sbr.rel $0x88, $3  }
0x1: {  	(tag) =	ssettag $0x0;
	lr =	simm.s32 $0x1  }
0x2: {  	[smem:$0x3F9B] =	sst lr;
	_ =	strace $0xD0000000  }
0x3: {  	_ = 	snop  }
0x4: {  	_ = 	snop  }
0x5: {  	_ = 	snop  }
0x6: {  	_ = 	snop  }
0x7: {  	_ = 	snop  }
__scs_overlays_trampoline_lowered:
0x8: {  	[smem:$0x3FAA] =	sst s0  }
0x9: {  	[smem:$0x3FAB] =	sst s1  }
0xa: {  	[smem:$0x3FAC] =	sst s2  }
0xb: {  	[smem:$0x3FAD] =	sst s3  }
0xc: {  	[smem:$0x3FAE] =	sst s4  }
0xd: {  	[smem:$0x3FAF] =	sst s5  }
0xe: {  	[smem:$0x3FB0] =	sst s6  }
0xf: {  	[smem:$0x3FB1] =	sst s7  }
0x10: {  	[smem:$0x3FB2] =	sst s8  }
0x11: {  	[smem:$0x3FB3] =	sst s9;
	s0 =	simm.s32 @!p0 $0x0  }
0x12: {  	s1 =	sld [smem:$0x3F99];
	s0 =	simm.s32 @p0 $0x1  }
0x13: {  	[smem:$0x3FB4] =	sst s0;
	s0 =	simm.s32 @!p1 $0x0  }
0x14: {  	s2 =	sld [smem:$0x3F98];
	s0 =	simm.s32 @p1 $0x1  }
0x15: {  	[smem:$0x3FB5] =	sst s0;
	s0 =	simm.s32 @!p2 $0x0  }
0x16: {  	s3 =	sld [smem:$0x3FDB];
	s0 =	simm.s32 @p2 $0x1  }
0x17: {  	s4 =	simm.s32 $0x1BF5;
	[smem:$0x3FB7] =	sst s0  }
0x18: {  	s0 =	sld [smem:$0x3F9A];
	_ =	swait.ge [sflag:s4], $0x0  }
0x19: {  	s7 =	sld [smem:$0x3F9B]  }
0x1a: {  	s8 =	sadd.s32 $0xFFFFE003, lr  }
0x1b: {  	s9 =	sadd.s32 $0xFFFFFEF7, lr;
	s5 =	simm.s32 $0xFFFFFFFF;
	p2 =	slt.u32 s8, $0xFFFFF086  }
0x1c: {  	p1 =	slt.u32 s9, $0xF7A;
	s5 =	simm.s32 @!p2 $0x0  }
0x1d: {  	s5 =	simm.s32 @p1 $0x1;
	p0 =	seq.s32 s7, s2  }
0x1e: {  	s7 =	smul.u32 @!p0 $0xF7A, s2;
	p2 =	seq.s32 @!p0 s5, $0x0  }
0x1f: {  	s9 =	smul.u32 $0xF7A, s1;
	s8 =	simm.s32 @!p0 $0x1BF5;
	p2 =	por !p2, p0  }
0x20: {  	[sflag:s8] =	ssyncset.s32 @!p0 $0xFFFFF086;
	s6 =	sadd.s32 @!p0 s3, s7;
	s7 =	simm.s32 @!p0 $0x108  }
0x21: {  	s3 =	sadd.s32 s3, s9;
	s6 =	sadd.s32 @!p0 $0x88, s6;
	s7 =	simm.s32 @p2 $0x1082  }
0x22: {  	[simem:s7], [sflag:s8] =	dma.local @!p0 [hbm:s6], $0xF7A  }
0x23: {  	s9 =	sor.u32 $0xD0000000, s2;
	s6 =	simm.s32 $0x108;
	_ =	swait.ge @!p0 [sflag:s8], $0x0  }
0x24: {  	s3 =	sadd.s32 $0x88, s3;
	s6 =	simm.s32 @!p1 $0x1082;
	[sflag:s4] =	ssyncset.s32 $0xFFFFF086  }
0x25: {  	[simem:s6], [sflag:s4] =	dma.local [hbm:s3], $0xF7A  }
0x26: {  	[smem:$0x3F9B] =	sst s1;
	(tag) =	ssettag s2;
	_ =	strace s9  }
0x27: {  	s1 =	sld [smem:$0x3FAB]  }
0x28: {  	s2 =	sld [smem:$0x3FAC]  }
0x29: {  	s4 =	sld [smem:$0x3FAE]  }
0x2a: {  	p0 =	seq.s32 s5, $0x0;
	s5 =	sld [smem:$0x3FAF]  }
0x2b: {  	s6 =	sld [smem:$0x3FB0]  }
0x2c: {  	s7 =	sld [smem:$0x3FB1]  }
0x2d: {  	s3 =	simm.s32 $0x108;
	s8 =	sld [smem:$0x3FB2]  }
0x2e: {  	s3 =	simm.s32 @!p0 $0x1082;
	s9 =	sld [smem:$0x3FB3]  }
0x2f: {  	lr =	sadd.s32 s0, s3;
	s0 =	sld [smem:$0x3FAA]  }
0x30: {  	s3 =	sld [smem:$0x3FAD]  }
0x31: {  	[smem:$0x3FB6] =	sst s10  }
0x32: {  	s10 =	sld [smem:$0x3FB4];
	_ =	sdelay $0x3  }
0x33: {  	p0 =	seq.s32 s10, $0x1;
	s10 =	sld [smem:$0x3FB6];
	_ =	sdelay $0x3  }
0x34: {  	[smem:$0x3FB6] =	sst s10  }
0x35: {  	s10 =	sld [smem:$0x3FB5];
	_ =	sdelay $0x3  }
0x36: {  	p1 =	seq.s32 s10, $0x1;
	s10 =	sld [smem:$0x3FB6];
	_ =	sdelay $0x3  }
0x37: {  	[smem:$0x3FB6] =	sst s10  }
0x38: {  	s10 =	sld [smem:$0x3FB7]  }
0x39: {  	_ = 	snop;
	(pc) =	sbr.ind lr, $3  }
0x3a: {  	_ = 	snop  }
0x3b: {  	_ = 	snop  }
0x3c: {  	p2 =	seq.s32 s10, $0x1;
	s10 =	sld [smem:$0x3FB6]  }
0x3d: {  	_ =	shalt  }
0x3e: {  	_ =	shalt  }
0x3f: {  	_ =	shalt  }
0x40: {  	_ =	shalt  }
0x41: {  	_ =	shalt  }
0x42: {  	_ =	shalt  }
0x43: {  	_ =	shalt  }
0x44: {  	_ =	shalt  }
0x45: {  	_ =	shalt  }
0x46: {  	_ =	shalt  }
0x47: {  	_ =	shalt  }
0x48: {  	_ =	shalt  }
0x49: {  	_ =	shalt  }
0x4a: {  	_ =	shalt  }
0x4b: {  	_ =	shalt  }
0x4c: {  	_ =	shalt  }
0x4d: {  	_ =	shalt  }
0x4e: {  	_ =	shalt  }
0x4f: {  	_ =	shalt  }
0x50: {  	_ =	shalt  }
0x51: {  	_ =	shalt  }
0x52: {  	_ =	shalt  }
0x53: {  	_ =	shalt  }
0x54: {  	_ =	shalt  }
0x55: {  	_ =	shalt  }
0x56: {  	_ =	shalt  }
0x57: {  	_ =	shalt  }
0x58: {  	_ =	shalt  }
0x59: {  	_ =	shalt  }
0x5a: {  	_ =	shalt  }
0x5b: {  	_ =	shalt  }
0x5c: {  	_ =	shalt  }
0x5d: {  	_ =	shalt  }
0x5e: {  	_ =	shalt  }
0x5f: {  	_ =	shalt  }
0x60: {  	_ =	shalt  }
0x61: {  	_ =	shalt  }
0x62: {  	_ =	shalt  }
0x63: {  	_ =	shalt  }
0x64: {  	_ =	shalt  }
0x65: {  	_ =	shalt  }
0x66: {  	_ =	shalt  }
0x67: {  	_ =	shalt  }
0x68: {  	_ =	shalt  }
0x69: {  	_ =	shalt  }
0x6a: {  	_ =	shalt  }
0x6b: {  	_ =	shalt  }
0x6c: {  	_ =	shalt  }
0x6d: {  	_ =	shalt  }
0x6e: {  	_ =	shalt  }
0x6f: {  	_ =	shalt  }
0x70: {  	_ =	shalt  }
0x71: {  	_ =	shalt  }
0x72: {  	_ =	shalt  }
0x73: {  	_ =	shalt  }
0x74: {  	_ =	shalt  }
0x75: {  	_ =	shalt  }
0x76: {  	_ =	shalt  }
0x77: {  	_ =	shalt  }
0x78: {  	_ =	shalt  }
0x79: {  	_ =	shalt  }
0x7a: {  	_ =	shalt  }
0x7b: {  	_ =	shalt  }
0x7c: {  	_ =	shalt  }
0x7d: {  	_ =	shalt  }
0x7e: {  	_ =	shalt  }
0x7f: {  	_ =	shalt  }
0x80: {  	_ =	shalt  }
0x81: {  	_ =	shalt  }
0x82: {  	_ =	shalt  }
0x83: {  	_ =	shalt  }
0x84: {  	_ =	shalt  }
0x85: {  	_ =	shalt  }
0x86: {  	_ =	shalt  }
0x87: {  	_ =	shalt  }
.Lfunc_end0:
.L_simem_size_0:
called_computation.1_lowered:
.L_overlay_start_0:
0x88: {  	s2 =	sld [smem:$0x3FD9]  }
0x89: {  	s3 =	sld [smem:$0x3FFE];
	_ =	sdelay $0x1  }
0x8a: {  	s1 =	srdreg.scid  }
0x8b: {  	s0 =	sand.u32 $0x1, s1  }
0x8c: {  	s14 =	sshll.u32 s0, $0xA;
	s2 =	sadd.s32 s3, s2  }
0x8d: {  	s2 =	sadd.s32 s2, s14  }
0x8e: {  	[smem:$0x3FC2] =	sst s2  }
0x8f: {  	_ = 	snop  }
0x90: {  	s2 =	sld [smem:$0x3FD0];
	_ =	sdelay $0x2  }
0x91: {  	s15 =	simm.s32 $0xA;
	s4 =	simm.s32 $0x10  }
0x92: {  	[smem:s4], [sflag:s15] =	dma.local [hbm:s2], $0x1  }
0x93: {  	_ =	swait.eq [sflag:s15], $0x1  }
0x94: {  	[sflag:s15] =	ssyncset.done $0x0  }
0x95: {  	s16 =	sld [smem:$0x10];
	[sflag:s15] =	ssyncadd.s32 $0xFFFFFFFF  }
0x96: {  	s17 =	sld [smem:$0x11];
	(tm) =	ssettm $0x1  }
0x97: {  	s18 =	sld [smem:$0x3FFB];
	_ =	sdelay $0x3  }
0x98: {  	_ =	strace s18  }
0x99: {  	s4 =	sld [smem:$0x3FFC];
	_ =	sdelay $0x3  }
0x9a: {  	_ =	strace s4  }
0x9b: {  	s4 =	sld [smem:$0x3FFD];
	_ =	sdelay $0x3  }
0x9c: {  	_ =	strace s4  }
0x9d: {  	_ =	strace $0x8FFFFFFF  }
0x9e: {  	s19 =	sld [smem:$0x3FDB];
	_ =	sdelay $0x1  }
0x9f: {  	s5 =	simm.s32 $_scs_section_size  }
0xa0: {  	s6 =	simm.s32 $_size__tile_overlayer_lowered;
	s7 =	simm.s32 $_tile_overlayer_lowered  }
0xa1: {  	s22 =	simm.s32 $0x1BFF;
	s21 =	sshll.u32 s7, $0x1;
	s4 =	sadd.s32 s5, s19  }
0xa2: {  	s8 =	simm.s32 $0x0;
	s20 =	sshll.u32 s6, $0x1;
	s6 =	sadd.s32 s21, s4  }
0xa3: {  	[timem:s8], [sflag:s22] =	dma.local [hbm:s6], s20  }
0xa4: {  	_ =	swait.ge [sflag:s22], s20  }
0xa5: {  	s5 =	ssub.s32 $0x0, s20;
	[sflag:s22] =	ssyncset.done $0x0  }
0xa6: {  	[sflag:s22] =	ssyncadd.s32 s5;
	_ =	sdelay $0x1  }
0xa7: {  	s23 =	simm.s32 $0x1B8B  }
0xa8: {  	_ =	swait.ge [sflag:s23], $0x1  }
0xa9: {  	[sflag:s23] =	ssyncset.done $0x0  }
0xaa: {  	s25 =	simm.s32 $0x1B8E;
	s24 =	sld [smem:$0x3FFE];
	[sflag:s23] =	ssyncadd.s32 $0xFFFFFFFF  }
0xab: {  	s26 =	simm.s32 $execute0_lowered;
	[smem:$0x3FD2] =	sst s25  }
0xac: {  	s6 =	sshll.u32 s26, $0x1;
	_ =	strace $0x80000049;
	[dreg:$0x1] =	wrdreg $0xFFFFFFFF  }
0xad: {  	s28 =	simm.s32 $_size_execute0_lowered;
	s4 =	sadd.s32 s4, s6;
	[dreg:$0x0] =	wrdreg $0x0  }
0xae: {  	s6 =	sshll.u32 s28, $0x1;
	[dreg:$0x2] =	wrdreg s4  }
0xaf: {  	[dreg:$0x3] =	wrdreg s6  }
0xb0: {  	[dreg:$0x4] =	wrdreg $0xC0  }
0xb1: {  	_ =	task [dreg:s8], $0x5FFFF  }
0xb2: {  	[dreg:$0x1] =	wrdreg $0xFFFFFFFF  }
0xb3: {  	[dreg:$0x0] =	wrdreg $0x60  }
0xb4: {  	[dreg:$0x2] =	wrdreg s24  }
0xb5: {  	[dreg:$0x3] =	wrdreg s17  }
0xb6: {  	[dreg:$0x4] =	wrdreg s16  }
0xb7: {  	[dreg:$0x5] =	wrdreg $0x9  }
0xb8: {  	_ =	task.clear_ibuf [dreg:s8], $0x6FFFF;
	_ =	strace $0x90000049  }
0xb9: {  	s29 =	simm.s32 $0x9;
	_ =	strace $0x8000004B  }
0xba: {  	_ =	swait.ge [sflag:s29], $0x1  }
0xbb: {  	[sflag:s29] =	ssyncadd.s32 $0xFFFFFFFF  }
0xbc: {  	_ =	strace $0x9000004B  }
0xbd: {  	_ =	sfence  }
0xbe: {  	s30 =	sld [smem:$0x0];
	_ =	sdelay $0x2  }
0xbf: {  	s31 =	sshll.u32 s1, $0xD;
	s1 =	sshrl.u32 s1, $0x2  }
0xc0: {  	s3 =	sand.u32 $0x4000, s31;
	s1 =	sadd.s32 s1, s30  }
0xc1: {  	s0 =	sor.u32 s3, s0;
	s1 =	sshll.u32 s1, $0x11  }
0xc2: {  	s0 =	sor.u32 s1, s0  }
0xc3: {  	s0 =	sadd.s32 $0x8F2B, s0  }
0xc4: {  	[sflag:s0] =	ssyncadd.remote.s32 $0x1  }
0xc5: {  	_ =	sfence.sel $0xFFFF  }
0xc6: {  	[dreg:$0x0] =	wrdreg $0xFFFFFFFF;
	(pc) =	sbr.abs _section_cstart, $3  }
0xc7: {  	[dreg:$0x1] =	wrdreg $0xFFFFFFFF  }
0xc8: {  	_ =	task.clear_ibuf [dreg:s8], $0x2FFFF;
	_ =	strace $0x9FFFFFFF  }
0xc9: {  	(tm) =	ssettm $0x7FFFFFFF  }
tec
execute0_lowered:
.L_overlay_start_1:
0x0: {  	(tag) =	ssettag $0x1  }
0x1: {  	s6 =	rddreg [dreg:$0x0]  }
0x2: {  	s1 =	rddreg [dreg:$0x1]  }
0x3: {  	s2 =	rddreg [dreg:$0x2]  }
0x4: {  	s0 =	rddreg [dreg:$0x3];
	s3 =	simm.s32 $0x0  }
0x5: {  	s4 =	srdreg.scid;
	s11 =	simm.s32 $0xB400;
	s12 =	simm.s32 $0x0  }
0x6: {  	[smem:$0x7FF] =	sst s3;
	s7 =	sand.u32 $0x1, s4;
	s4 =	stileid.u32  }
0x7: {  	s5 =	sadd.s32 $0x2200, s6;
	s6 =	sadd.s32 $0xB2200, s6;
	s8 =	ssub.s32 $0x2, s7  }
0x8: {  	_ =	strace $0x8000004A;
	s10 =	sshll.u32 s4, $0x1;
	s9 =	sshrl.u32 s8, $0x1  }
0x9: {  	v1 =	vlaneseq.u32;
	s7 =	sor.u32 s7, s10;
	s10 =	simm.s32 $0xA000;
	s8 =	ssub.s32 s8, s9  }
0xa: {  	v0 =	vshrl.u32 v1, $0x2;
	v1 =	vand.u32 $0x3, v1;
	s7 =	smul.u32 $0x2710, s7;
	s9 =	simm.s32 $0x1;
	s8 =	smax.u32 s8, $0x1  }
.LBB2_1:
0xb: {  	[tilespmem:s3], [sflag:$0x1] =	stream.linear.gather [hbm4b:s6+s3], $0xA000, $0x38;
	[tilespmem:$0xC400] =	vst v63  }
0xc: {  	_ =	swait.ge [sflag:s9], $0xA000  }
0xd: {  	[sflag:s9] =	ssyncset.done $0x0  }
0xe: {  	s13 =	simm.s32 $0x0;
	[sflag:s9] =	ssyncadd.s32 $0xFFFF6000  }
.LBB2_2:
0xf: {  	s14 =	smul.u32 $0x3E8, s13;
	_ =	sdelay $0x1  }
0x10: {  	s14 =	sadd.s32 s7, s14  }
0x11: {  	s15 =	sshrl.u32 s14, $0x3  }
0x12: {  	s16 =	simm.s32 $0x0;
	s15 =	sadd.s32 s5, s15  }
0x13: {  	[tilespmem:s10], [sflag:$0x1] =	stream.linear.gather [hbm4b:s15+s16], $0x3E8, $0x38;
	[tilespmem:$0xC400] =	vst v63  }
0x14: {  	_ =	swait.ge [sflag:s9], $0x3E8  }
0x15: {  	s14 =	sshrl.u32 s14, $0x1;
	[sflag:s9] =	ssyncset.done $0x0  }
0x16: {  	s17 =	simm.s32 $0xA400;
	v2 =	vor.u32 s16, v0;
	s29 =	sadd.s32 s1, s14;
	[sflag:s9] =	ssyncadd.s32 $0xFFFFFC18  }
0x17: {  	[tilespmem:s17], [sflag:$0x1] =	stream.linear.gather [hbm4b:s29+s16], $0xFA0, $0x38;
	[tilespmem:$0xC400] =	vst v63  }
0x18: {  	_ =	swait.ge [sflag:s9], $0xFA0  }
0x19: {  	[sflag:s9] =	ssyncset.done $0x0  }
0x1a: {  	[sflag:s9] =	ssyncadd.s32 $0xFFFFF060  }
0x1b: {  	v2 =	vld.idx.msk [tilespmem:v2+s10+$0x0], $0xffff;
	_ =	sdelay $0x4  }
0x1c: {  	v2 =	vshll.u32 v2, $0x2  }
0x1d: {  	v2 =	vor.u32 v1, v2;
	_ =	sdelay $0x3  }
0x1e: {  	v3 =	vld [tilespmem:s17+$0x0]  }
0x1f: {  	v2 =	vld.idx.msk [tilespmem:v2+s3+$0x0], $0xffff;
	_ =	sdelay $0x1  }
0x20: {  	s30 =	simm.s32 $0x4  }
0x21: {  	v4 =	vor.u32 s30, v0;
	_ =	sdelay $0x1  }
0x22: {  	v2 =	vmul.f32 v3, v2  }
0x23: {  	s15 =	simm.s32 $0xB400  }
0x24: {  	[tilespmem:s15+$0x0] =	vst v2  }
0x25: {  	v2 =	vld.idx.msk [tilespmem:v4+s10+$0x0], $0xffff;
	_ =	sdelay $0x4  }
0x26: {  	v2 =	vshll.u32 v2, $0x2  }
0x27: {  	v2 =	vor.u32 v1, v2;
	_ =	sdelay $0x2  }
0x28: {  	s16 =	simm.s32 $0xA410  }
0x29: {  	v4 =	vld [tilespmem:s16+$0x0]  }
0x2a: {  	v2 =	vld.idx.msk [tilespmem:v2+s3+$0x0], $0xffff;
	_ =	sdelay $0x1  }
0x2b: {  	s31 =	simm.s32 $0x8  }
0x2c: {  	s17 =	simm.s32 $0xC;
	v3 =	vor.u32 s31, v0  }
.LBB2_3:
0x2d: {  	p0 =	sne.s32 s17, $0x3E4  }
0x2e: {  	v2 =	vmul.f32 v4, v2  }
0x2f: {  	s15 =	sadd.s32 $0x10, s15  }
0x30: {  	[tilespmem:s15+$0x0] =	vst v2  }
0x31: {  	v2 =	vld.idx.msk [tilespmem:v3+s10+$0x0], $0xffff;
	_ =	sdelay $0x5  }
0x32: {  	v2 =	vshll.u32 v2, $0x2  }
0x33: {  	v2 =	vor.u32 v1, v2;
	_ =	sdelay $0x4  }
.Ltmp0:
0x34: {  	s16 =	sadd.s32 $0x10, s16;
	v2 =	vld.idx.msk [tilespmem:v2+s3+$0x0], $0xffff;
	(pc) =	sbr.rel @p0 .LBB2_3-.Ltmp0, $2  }
0x35: {  	v4 =	vld [tilespmem:s16+$0x0];
	_ =	sdelay $0x2  }
0x36: {  	v3 =	vor.u32 s17, v0;
	s17 =	sadd.s32 $0x4, s17  }
0x37: {  	_ = 	snop  }
0x38: {  	v2 =	vmul.f32 v4, v2  }
0x39: {  	s15 =	sadd.s32 $0x10, s15  }
0x3a: {  	[tilespmem:s15+$0x0] =	vst v2  }
0x3b: {  	v2 =	vld.idx.msk [tilespmem:v3+s10+$0x0], $0xffff;
	_ =	sdelay $0x4  }
0x3c: {  	v2 =	vshll.u32 v2, $0x2  }
0x3d: {  	v2 =	vor.u32 v1, v2;
	_ =	sdelay $0x2  }
0x3e: {  	s16 =	sadd.s32 $0x10, s16  }
0x3f: {  	v3 =	vld [tilespmem:s16+$0x0]  }
0x40: {  	v2 =	vld.idx.msk [tilespmem:v2+s3+$0x0], $0xffff;
	_ =	sdelay $0x4  }
0x41: {  	s13 =	sadd.s32 $0x1, s13;
	v2 =	vmul.f32 v3, v2  }
0x42: {  	p0 =	sne.s32 s13, $0xA;
	s15 =	sadd.s32 $0x10, s15  }
.Ltmp1:
0x43: {  	s14 =	sadd.s32 s2, s14;
	[tilespmem:s15+$0x0] =	vst v2;
	(pc) =	sbr.rel @p0 .LBB2_2-.Ltmp1, $4  }
0x44: {  	[hbm4b:s14+s3] =	stream.linear.scatter [tilespmem:s11], [sflag:$0x1], $0xFA0, $0x38;
	[tilespmem:$0xC400] =	vst v63  }
0x45: {  	_ =	swait.ge [sflag:s9], $0xFA0  }
0x46: {  	[sflag:s9] =	ssyncset.done $0x0  }
0x47: {  	[sflag:s9] =	ssyncadd.s32 $0xFFFFF060  }
0x48: {  	s12 =	sadd.s32 $0x1, s12  }
0x49: {  	p0 =	sne.s32 s12, s8  }
.Ltmp2:
0x4a: {  	_ = 	snop;
	(pc) =	sbr.rel @p0 .LBB2_1-.Ltmp2, $1  }
0x4b: {  	_ =	sdelay $0x3  }
0x4c: {  	_ =	sfence.sel $0x180000  }
0x4d: {  	[bflag:$0x0] =	sbarrier.arrive $0xFFFF  }
0x4e: {  	p0 =	sne.s32 s4, $0x0;
	_ =	strace $0x9000004A  }
0x4f: {  	s0 =	sadd.s32 @!p0 $0x100000, s0;
	[bflag:$0x2] =	sbarrier.arrive $0xFFFF  }
0x50: {  	[sflag:s0] =	ssyncadd.tile.s32 @!p0 $0x1;
	_ =	shalt  }
.Lfunc_end2:
_tile_overlayer_lowered:
.L_overlay_start_2:
0x51: {  	(tag) =	ssettag $0x2  }
0x52: {  	s0 =	rddreg [dreg:$0x0];
	s2 =	stileid.u32  }
0x53: {  	s1 =	rddreg [dreg:$0x1];
	p0 =	sne.s32 s2, $0x0  }
0x54: {  	s3 =	rddreg [dreg:$0x2];
	[bflag:$0x3] =	sbarrier.arrive $0xFFFF;
	s2 =	simm.s32 @!p0 $0x1C01  }
0x55: {  	[timem:s3], [sflag:s2] =	dma.local @!p0 [hbm:s0], s1  }
0x56: {  	s0 =	simm.s32 @!p0 $0x1  }
0x57: {  	_ =	swait.ge @!p0 [sflag:s0], s1  }
0x58: {  	s1 =	ssub.s32 @!p0 $0x0, s1;
	[sflag:s0] =	ssyncset.done @!p0 $0x0  }
0x59: {  	[sflag:s0] =	ssyncadd.s32 @!p0 s1  }
0x5a: {  	[bflag:$0x3] =	sbarrier.arrive $0xFFFF  }
0x5b: {  	_ =	shalt  }

// kernel: kernel.14.cloned.1.call-start
scs
__scs_entry_jumppad:
0x0: {  	(pc) =	sbr.rel $0x88, $3  }
0x1: {  	(tag) =	ssettag $0x0;
	lr =	simm.s32 $0x1  }
0x2: {  	[smem:$0x3F9B] =	sst lr;
	_ =	strace $0xD0000000  }
0x3: {  	_ = 	snop  }
0x4: {  	_ = 	snop  }
0x5: {  	_ = 	snop  }
0x6: {  	_ = 	snop  }
0x7: {  	_ = 	snop  }
__scs_overlays_trampoline_lowered:
0x8: {  	[smem:$0x3FAA] =	sst s0  }
0x9: {  	[smem:$0x3FAB] =	sst s1  }
0xa: {  	[smem:$0x3FAC] =	sst s2  }
0xb: {  	[smem:$0x3FAD] =	sst s3  }
0xc: {  	[smem:$0x3FAE] =	sst s4  }
0xd: {  	[smem:$0x3FAF] =	sst s5  }
0xe: {  	[smem:$0x3FB0] =	sst s6  }
0xf: {  	[smem:$0x3FB1] =	sst s7  }
0x10: {  	[smem:$0x3FB2] =	sst s8  }
0x11: {  	[smem:$0x3FB3] =	sst s9;
	s0 =	simm.s32 @!p0 $0x0  }
0x12: {  	s1 =	sld [smem:$0x3F99];
	s0 =	simm.s32 @p0 $0x1  }
0x13: {  	[smem:$0x3FB4] =	sst s0;
	s0 =	simm.s32 @!p1 $0x0  }
0x14: {  	s2 =	sld [smem:$0x3F98];
	s0 =	simm.s32 @p1 $0x1  }
0x15: {  	[smem:$0x3FB5] =	sst s0;
	s0 =	simm.s32 @!p2 $0x0  }
0x16: {  	s3 =	sld [smem:$0x3FDB];
	s0 =	simm.s32 @p2 $0x1  }
0x17: {  	s4 =	simm.s32 $0x1BF5;
	[smem:$0x3FB7] =	sst s0  }
0x18: {  	s0 =	sld [smem:$0x3F9A];
	_ =	swait.ge [sflag:s4], $0x0  }
0x19: {  	s7 =	sld [smem:$0x3F9B]  }
0x1a: {  	s8 =	sadd.s32 $0xFFFFE003, lr  }
0x1b: {  	s9 =	sadd.s32 $0xFFFFFEF7, lr;
	s5 =	simm.s32 $0xFFFFFFFF;
	p2 =	slt.u32 s8, $0xFFFFF086  }
0x1c: {  	p1 =	slt.u32 s9, $0xF7A;
	s5 =	simm.s32 @!p2 $0x0  }
0x1d: {  	s5 =	simm.s32 @p1 $0x1;
	p0 =	seq.s32 s7, s2  }
0x1e: {  	s7 =	smul.u32 @!p0 $0xF7A, s2;
	p2 =	seq.s32 @!p0 s5, $0x0  }
0x1f: {  	s9 =	smul.u32 $0xF7A, s1;
	s8 =	simm.s32 @!p0 $0x1BF5;
	p2 =	por !p2, p0  }
0x20: {  	[sflag:s8] =	ssyncset.s32 @!p0 $0xFFFFF086;
	s6 =	sadd.s32 @!p0 s3, s7;
	s7 =	simm.s32 @!p0 $0x108  }
0x21: {  	s3 =	sadd.s32 s3, s9;
	s6 =	sadd.s32 @!p0 $0x88, s6;
	s7 =	simm.s32 @p2 $0x1082  }
0x22: {  	[simem:s7], [sflag:s8] =	dma.local @!p0 [hbm:s6], $0xF7A  }
0x23: {  	s9 =	sor.u32 $0xD0000000, s2;
	s6 =	simm.s32 $0x108;
	_ =	swait.ge @!p0 [sflag:s8], $0x0  }
0x24: {  	s3 =	sadd.s32 $0x88, s3;
	s6 =	simm.s32 @!p1 $0x1082;
	[sflag:s4] =	ssyncset.s32 $0xFFFFF086  }
0x25: {  	[simem:s6], [sflag:s4] =	dma.local [hbm:s3], $0xF7A  }
0x26: {  	[smem:$0x3F9B] =	sst s1;
	(tag) =	ssettag s2;
	_ =	strace s9  }
0x27: {  	s1 =	sld [smem:$0x3FAB]  }
0x28: {  	s2 =	sld [smem:$0x3FAC]  }
0x29: {  	s4 =	sld [smem:$0x3FAE]  }
0x2a: {  	p0 =	seq.s32 s5, $0x0;
	s5 =	sld [smem:$0x3FAF]  }
0x2b: {  	s6 =	sld [smem:$0x3FB0]  }
0x2c: {  	s7 =	sld [smem:$0x3FB1]  }
0x2d: {  	s3 =	simm.s32 $0x108;
	s8 =	sld [smem:$0x3FB2]  }
0x2e: {  	s3 =	simm.s32 @!p0 $0x1082;
	s9 =	sld [smem:$0x3FB3]  }
0x2f: {  	lr =	sadd.s32 s0, s3;
	s0 =	sld [smem:$0x3FAA]  }
0x30: {  	s3 =	sld [smem:$0x3FAD]  }
0x31: {  	[smem:$0x3FB6] =	sst s10  }
0x32: {  	s10 =	sld [smem:$0x3FB4];
	_ =	sdelay $0x3  }
0x33: {  	p0 =	seq.s32 s10, $0x1;
	s10 =	sld [smem:$0x3FB6];
	_ =	sdelay $0x3  }
0x34: {  	[smem:$0x3FB6] =	sst s10  }
0x35: {  	s10 =	sld [smem:$0x3FB5];
	_ =	sdelay $0x3  }
0x36: {  	p1 =	seq.s32 s10, $0x1;
	s10 =	sld [smem:$0x3FB6];
	_ =	sdelay $0x3  }
0x37: {  	[smem:$0x3FB6] =	sst s10  }
0x38: {  	s10 =	sld [smem:$0x3FB7]  }
0x39: {  	_ = 	snop;
	(pc) =	sbr.ind lr, $3  }
0x3a: {  	_ = 	snop  }
0x3b: {  	_ = 	snop  }
0x3c: {  	p2 =	seq.s32 s10, $0x1;
	s10 =	sld [smem:$0x3FB6]  }
0x3d: {  	_ =	shalt  }
0x3e: {  	_ =	shalt  }
0x3f: {  	_ =	shalt  }
0x40: {  	_ =	shalt  }
0x41: {  	_ =	shalt  }
0x42: {  	_ =	shalt  }
0x43: {  	_ =	shalt  }
0x44: {  	_ =	shalt  }
0x45: {  	_ =	shalt  }
0x46: {  	_ =	shalt  }
0x47: {  	_ =	shalt  }
0x48: {  	_ =	shalt  }
0x49: {  	_ =	shalt  }
0x4a: {  	_ =	shalt  }
0x4b: {  	_ =	shalt  }
0x4c: {  	_ =	shalt  }
0x4d: {  	_ =	shalt  }
0x4e: {  	_ =	shalt  }
0x4f: {  	_ =	shalt  }
0x50: {  	_ =	shalt  }
0x51: {  	_ =	shalt  }
0x52: {  	_ =	shalt  }
0x53: {  	_ =	shalt  }
0x54: {  	_ =	shalt  }
0x55: {  	_ =	shalt  }
0x56: {  	_ =	shalt  }
0x57: {  	_ =	shalt  }
0x58: {  	_ =	shalt  }
0x59: {  	_ =	shalt  }
0x5a: {  	_ =	shalt  }
0x5b: {  	_ =	shalt  }
0x5c: {  	_ =	shalt  }
0x5d: {  	_ =	shalt  }
0x5e: {  	_ =	shalt  }
0x5f: {  	_ =	shalt  }
0x60: {  	_ =	shalt  }
0x61: {  	_ =	shalt  }
0x62: {  	_ =	shalt  }
0x63: {  	_ =	shalt  }
0x64: {  	_ =	shalt  }
0x65: {  	_ =	shalt  }
0x66: {  	_ =	shalt  }
0x67: {  	_ =	shalt  }
0x68: {  	_ =	shalt  }
0x69: {  	_ =	shalt  }
0x6a: {  	_ =	shalt  }
0x6b: {  	_ =	shalt  }
0x6c: {  	_ =	shalt  }
0x6d: {  	_ =	shalt  }
0x6e: {  	_ =	shalt  }
0x6f: {  	_ =	shalt  }
0x70: {  	_ =	shalt  }
0x71: {  	_ =	shalt  }
0x72: {  	_ =	shalt  }
0x73: {  	_ =	shalt  }
0x74: {  	_ =	shalt  }
0x75: {  	_ =	shalt  }
0x76: {  	_ =	shalt  }
0x77: {  	_ =	shalt  }
0x78: {  	_ =	shalt  }
0x79: {  	_ =	shalt  }
0x7a: {  	_ =	shalt  }
0x7b: {  	_ =	shalt  }
0x7c: {  	_ =	shalt  }
0x7d: {  	_ =	shalt  }
0x7e: {  	_ =	shalt  }
0x7f: {  	_ =	shalt  }
0x80: {  	_ =	shalt  }
0x81: {  	_ =	shalt  }
0x82: {  	_ =	shalt  }
0x83: {  	_ =	shalt  }
0x84: {  	_ =	shalt  }
0x85: {  	_ =	shalt  }
0x86: {  	_ =	shalt  }
0x87: {  	_ =	shalt  }
.Lfunc_end0:
.L_simem_size_0:
called_computation.2_lowered:
.L_overlay_start_0:
0x88: {  	s2 =	sld [smem:$0x3FD9]  }
0x89: {  	s3 =	sld [smem:$0x3FFE];
	_ =	sdelay $0x1  }
0x8a: {  	s1 =	srdreg.scid  }
0x8b: {  	s0 =	sand.u32 $0x1, s1  }
0x8c: {  	s14 =	sshll.u32 s0, $0xA;
	s2 =	sadd.s32 s3, s2  }
0x8d: {  	s2 =	sadd.s32 s2, s14  }
0x8e: {  	[smem:$0x3FC2] =	sst s2  }
0x8f: {  	_ = 	snop  }
0x90: {  	s2 =	sld [smem:$0x3FD0];
	_ =	sdelay $0x2  }
0x91: {  	s15 =	simm.s32 $0xA;
	s4 =	simm.s32 $0x10  }
0x92: {  	[smem:s4], [sflag:s15] =	dma.local [hbm:s2], $0x1  }
0x93: {  	_ =	swait.eq [sflag:s15], $0x1  }
0x94: {  	[sflag:s15] =	ssyncset.done $0x0  }
0x95: {  	[sflag:s15] =	ssyncadd.s32 $0xFFFFFFFF  }
0x96: {  	s16 =	sld [smem:$0x10];
	(tm) =	ssettm $0x1  }
0x97: {  	s17 =	sld [smem:$0x3FFB];
	_ =	sdelay $0x3  }
0x98: {  	_ =	strace s17  }
0x99: {  	s3 =	sld [smem:$0x3FFC];
	_ =	sdelay $0x3  }
0x9a: {  	_ =	strace s3  }
0x9b: {  	s3 =	sld [smem:$0x3FFD];
	_ =	sdelay $0x3  }
0x9c: {  	_ =	strace s3  }
0x9d: {  	_ =	strace $0x8FFFFFFF  }
0x9e: {  	s18 =	sld [smem:$0x3FDB];
	_ =	sdelay $0x1  }
0x9f: {  	s19 =	simm.s32 $_scs_section_size  }
0xa0: {  	s5 =	simm.s32 $_size__tile_overlayer_lowered;
	s6 =	simm.s32 $_tile_overlayer_lowered  }
0xa1: {  	s22 =	simm.s32 $0x1BFF;
	s21 =	sshll.u32 s6, $0x1;
	s3 =	sadd.s32 s19, s18  }
0xa2: {  	s7 =	simm.s32 $0x0;
	s20 =	sshll.u32 s5, $0x1;
	s5 =	sadd.s32 s21, s3  }
0xa3: {  	[timem:s7], [sflag:s22] =	dma.local [hbm:s5], s20  }
0xa4: {  	_ =	swait.ge [sflag:s22], s20  }
0xa5: {  	s4 =	ssub.s32 $0x0, s20;
	[sflag:s22] =	ssyncset.done $0x0  }
0xa6: {  	[sflag:s22] =	ssyncadd.s32 s4;
	_ =	sdelay $0x1  }
0xa7: {  	s23 =	simm.s32 $0x1B8B  }
0xa8: {  	_ =	swait.ge [sflag:s23], $0x1  }
0xa9: {  	[sflag:s23] =	ssyncset.done $0x0  }
0xaa: {  	s25 =	simm.s32 $0x1B8E;
	s24 =	sld [smem:$0x3FFE];
	[sflag:s23] =	ssyncadd.s32 $0xFFFFFFFF  }
0xab: {  	s26 =	simm.s32 $execute0_lowered;
	[smem:$0x3FD2] =	sst s25  }
0xac: {  	s5 =	sshll.u32 s26, $0x1;
	_ =	strace $0x8000004C;
	[dreg:$0x1] =	wrdreg $0xFFFFFFFF  }
0xad: {  	s28 =	simm.s32 $_size_execute0_lowered;
	s3 =	sadd.s32 s3, s5;
	[dreg:$0x0] =	wrdreg $0x0  }
0xae: {  	s5 =	sshll.u32 s28, $0x1;
	[dreg:$0x2] =	wrdreg s3  }
0xaf: {  	[dreg:$0x3] =	wrdreg s5  }
0xb0: {  	[dreg:$0x4] =	wrdreg $0xC0  }
0xb1: {  	_ =	task [dreg:s7], $0x5FFFF  }
0xb2: {  	[dreg:$0x1] =	wrdreg $0xFFFFFFFF  }
0xb3: {  	[dreg:$0x0] =	wrdreg $0x60  }
0xb4: {  	[dreg:$0x2] =	wrdreg s24  }
0xb5: {  	[dreg:$0x3] =	wrdreg s16  }
0xb6: {  	[dreg:$0x4] =	wrdreg $0xB7000  }
0xb7: {  	[dreg:$0x5] =	wrdreg $0x9  }
0xb8: {  	_ =	task.clear_ibuf [dreg:s7], $0x6FFFF;
	_ =	strace $0x9000004C  }
0xb9: {  	s29 =	simm.s32 $0x9;
	_ =	strace $0x8000004E  }
0xba: {  	_ =	swait.ge [sflag:s29], $0x1  }
0xbb: {  	[sflag:s29] =	ssyncadd.s32 $0xFFFFFFFF  }
0xbc: {  	_ =	strace $0x9000004E  }
0xbd: {  	_ =	sfence  }
0xbe: {  	s30 =	sld [smem:$0x0];
	_ =	sdelay $0x2  }
0xbf: {  	s31 =	sshll.u32 s1, $0xD;
	s1 =	sshrl.u32 s1, $0x2  }
0xc0: {  	s3 =	sand.u32 $0x4000, s31;
	s1 =	sadd.s32 s1, s30  }
0xc1: {  	s0 =	sor.u32 s3, s0;
	s1 =	sshll.u32 s1, $0x11  }
0xc2: {  	s0 =	sor.u32 s1, s0  }
0xc3: {  	s0 =	sadd.s32 $0x8F2B, s0  }
0xc4: {  	[sflag:s0] =	ssyncadd.remote.s32 $0x1  }
0xc5: {  	_ =	sfence.sel $0xFFFF  }
0xc6: {  	[dreg:$0x0] =	wrdreg $0xFFFFFFFF;
	(pc) =	sbr.abs _section_cstart, $3  }
0xc7: {  	[dreg:$0x1] =	wrdreg $0xFFFFFFFF  }
0xc8: {  	_ =	task.clear_ibuf [dreg:s7], $0x2FFFF;
	_ =	strace $0x9FFFFFFF  }
0xc9: {  	(tm) =	ssettm $0x7FFFFFFF  }
tec
execute0_lowered:
.L_overlay_start_1:
0x0: {  	(tag) =	ssettag $0x1  }
0x1: {  	s0 =	rddreg [dreg:$0x0]  }
0x2: {  	s2 =	rddreg [dreg:$0x2];
	s21 =	simm.s32 $0x0;
	s1 =	stileid.u32  }
0x3: {  	s3 =	srdreg.scid;
	s15 =	simm.s32 $0x3;
	s16 =	simm.s32 $0x80  }
0x4: {  	s28 =	simm.s32 $0x1;
	s29 =	simm.s32 $0x5300;
	s30 =	simm.s32 $0x5B00  }
0x5: {  	s31 =	simm.s32 $0x6300;
	s14 =	simm.s32 $0x8B00;
	s17 =	simm.s32 $0xA300  }
0x6: {  	s18 =	simm.s32 $0x2;
	s19 =	simm.s32 $0x100;
	[smem:$0x7FF] =	sst s21  }
0x7: {  	s7 =	smul.u32 $0x2800, s1;
	s3 =	sand.u32 $0x1, s3;
	s4 =	sadd.s32 $0xC000, s0  }
0x8: {  	s5 =	sadd.s32 $0xB3600, s0;
	s6 =	sadd.s32 $0x15E00, s0;
	s10 =	smul.u32 $0x50000, s1  }
0x9: {  	s22 =	sshll.u32 s1, $0x1;
	s23 =	sshll.u32 s1, $0x6;
	p0 =	sne.s32 s1, $0x0  }
0xa: {  	s1 =	simm.s32 $0x28;
	_ =	strace $0x8000004D;
	s8 =	smul.u32 $0x28000, s3  }
0xb: {  	s9 =	ssub.s32 $0x2, s3;
	s3 =	sor.u32 s3, s22;
	s22 =	sor.u32 $0x1C03, s23  }
0xc: {  	s7 =	sadd.s32 s7, s0;
	s11 =	sshrl.u32 s9, $0x1;
	s10 =	sshrl.u32 s10, $0x2  }
0xd: {  	[dreg:$0x6] =	wrdreg s22;
	s8 =	sadd.s32 s8, s0;
	s12 =	ssub.s32 s9, s11  }
0xe: {  	s13 =	sadd.s32 s10, s2;
	s7 =	sadd.s32 $0xD2A00, s7;
	s9 =	smul.u32 $0x2710, s3  }
0xf: {  	s10 =	smul.u32 $0x7D, s3;
	s11 =	sadd.s32 $0x15F00, s0;
	s0 =	simm.s32 $0x6B00  }
0x10: {  	s3 =	simm.s32 $0x9B00;
	[dreg:$0x5] =	wrdreg s7;
	s24 =	sadd.s32 $0xFAA00, s8  }
0x11: {  	v2 =	vlaneseq.u32;
	s25 =	smax.u32 s12, $0x1;
	s26 =	sshrl.u32 s13, $0x3;
	[dreg:$0x7] =	wrdreg s24  }
0x12: {  	vm0 =	vmmov $0xffff;
	v1 =	vshrl.u32 v2, $0x3;
	s7 =	simm.s32 $0x7300;
	s12 =	simm.s32 $0x7B00;
	[dreg:$0x8] =	wrdreg s25  }
0x13: {  	v0 =	vand.u32 $0x7, v2;
	v2 =	vor.u32 $0x8, v2;
	v1 =	vmul.u32 $0x8, v1;
	s13 =	simm.s32 $0x8300;
	s8 =	simm.s32 $0x9300;
	[dreg:$0x9] =	wrdreg s26  }
.LBB2_1:
0x14: {  	[dreg:$0x4] =	wrdreg s21  }
0x15: {  	s20 =	rddreg [dreg:$0x5]  }
0x16: {  	s26 =	rddreg [dreg:$0x9]  }
0x17: {  	[spmem:s26], [sflag:s22] =	dma.local [hbm:s20], $0x2800  }
0x18: {  	_ =	swait.ge [sflag:s15], $0x2800  }
0x19: {  	[sflag:s15] =	ssyncset.done $0x0  }
0x1a: {  	[sflag:s15] =	ssyncadd.s32 $0xFFFFD800  }
0x1b: {  	s20 =	simm.s32 $0x0;
	[bflag:$0x0] =	sbarrier.arrive $0xFFFF  }
.LBB2_2:
0x1c: {  	s21 =	smul.u32 $0x50, s20;
	_ =	sdelay $0x1  }
0x1d: {  	s22 =	sadd.s32 s9, s21  }
0x1e: {  	s21 =	sshrl.u32 s22, $0x3  }
0x1f: {  	s23 =	sadd.s32 s4, s21;
	s21 =	simm.s32 $0x0  }
0x20: {  	[tilespmem:s21], [sflag:$0x3] =	stream.linear.gather [hbm4b:s23+s21], $0x50, $0x38;
	[tilespmem:$0x1F700] =	vst v63  }
0x21: {  	s26 =	sadd.s32 s10, s20;
	_ =	swait.ge [sflag:s15], $0x50  }
0x22: {  	s23 =	sshll.u32 s26, $0x5;
	[sflag:s15] =	ssyncset.done $0x0  }
0x23: {  	s23 =	sadd.s32 s5, s23;
	[sflag:s15] =	ssyncadd.s32 $0xFFFFFFB0  }
0x24: {  	[tilespmem:s16], [sflag:$0x3] =	stream.linear.gather [hbm4b:s23+s21], $0x100, $0x38;
	[tilespmem:$0x1F700] =	vst v63  }
0x25: {  	_ =	swait.ge [sflag:s15], $0x100  }
0x26: {  	[sflag:s15] =	ssyncset.done $0x0  }
0x27: {  	[sflag:s15] =	ssyncadd.s32 $0xFFFFFF00  }
0x28: {  	s22 =	sshrl.u32 s22, $0x1;
	s24 =	rddreg [dreg:$0x1]  }
0x29: {  	s23 =	sadd.s32 s24, s22;
	s22 =	simm.s32 $0x180  }
0x2a: {  	[tilespmem:s22], [sflag:$0x3] =	stream.linear.gather [hbm4b:s23+s21], $0x140, $0x38;
	[tilespmem:$0x1F700] =	vst v63  }
0x2b: {  	_ =	swait.ge [sflag:s15], $0x140  }
0x2c: {  	[sflag:s15] =	ssyncset.done $0x0  }
0x2d: {  	[sflag:s15] =	ssyncadd.s32 $0xFFFFFEC0  }
0x2e: {  	v3 =	vld [tilespmem:$0x0];
	_ =	sdelay $0x4  }
0x2f: {  	v4 =	vshll.u32 v3, $0x2  }
0x30: {  	v3 =	vand.u32 $0x7, v3;
	v4 =	vand.u32 $0xFFFFFFE0, v4  }
0x31: {  	v3 =	vor.u32 v3, v4  }
0x32: {  	v4 =	vperm.xlane v3, v0;
	_ =	sdelay $0x1  }
0x33: {  	v4 =	vadd.s32 v1, v4;
	_ =	sdelay $0x1  }
0x34: {  	v3 =	vperm.xlane v3, v2;
	_ =	sdelay $0x1  }
0x35: {  	s25 =	simm.s32 $0x300;
	v3 =	vadd.s32 v1, v3  }
0x36: {  	[tilespmem:s25], [sflag:$0x1] =	stream.indirect_vreg.gather [hbm4b:s6+s21], $0x80, v4, vm0, $0xb8;
	[tilespmem:$0x1F700] =	vst v63  }
0x37: {  	s26 =	simm.s32 $0xB00  }
0x38: {  	[tilespmem:s26], [sflag:$0x1] =	stream.indirect_vreg.gather [hbm4b:s11+s21], $0x80, v4, vm0, $0xb8;
	[tilespmem:$0x1F700] =	vst v63  }
0x39: {  	s24 =	simm.s32 $0x1300  }
0x3a: {  	[tilespmem:s24], [sflag:$0x1] =	stream.indirect_vreg.gather [hbm4b:s6+s21], $0x80, v3, vm0, $0xb8;
	[tilespmem:$0x1F700] =	vst v63  }
0x3b: {  	s25 =	simm.s32 $0x1B00  }
0x3c: {  	[tilespmem:s25], [sflag:$0x1] =	stream.indirect_vreg.gather [hbm4b:s11+s21], $0x80, v3, vm0, $0xb8;
	[tilespmem:$0x1F700] =	vst v63  }
0x3d: {  	v3 =	vld [tilespmem:$0x10];
	_ =	sdelay $0x4  }
0x3e: {  	v4 =	vshll.u32 v3, $0x2  }
0x3f: {  	v3 =	vand.u32 $0x7, v3;
	v4 =	vand.u32 $0xFFFFFFE0, v4  }
0x40: {  	v3 =	vor.u32 v3, v4  }
0x41: {  	v4 =	vperm.xlane v3, v0;
	_ =	sdelay $0x1  }
0x42: {  	v4 =	vadd.s32 v1, v4;
	_ =	sdelay $0x1  }
0x43: {  	v3 =	vperm.xlane v3, v2;
	_ =	sdelay $0x1  }
0x44: {  	s26 =	simm.s32 $0x2300;
	v3 =	vadd.s32 v1, v3  }
0x45: {  	[tilespmem:s26], [sflag:$0x1] =	stream.indirect_vreg.gather [hbm4b:s6+s21], $0x80, v4, vm0, $0xb8;
	[tilespmem:$0x1F700] =	vst v63  }
0x46: {  	s24 =	simm.s32 $0x2B00  }
0x47: {  	[tilespmem:s24], [sflag:$0x1] =	stream.indirect_vreg.gather [hbm4b:s11+s21], $0x80, v4, vm0, $0xb8;
	[tilespmem:$0x1F700] =	vst v63  }
0x48: {  	s25 =	simm.s32 $0x3300  }
0x49: {  	[tilespmem:s25], [sflag:$0x1] =	stream.indirect_vreg.gather [hbm4b:s6+s21], $0x80, v3, vm0, $0xb8;
	[tilespmem:$0x1F700] =	vst v63  }
0x4a: {  	s26 =	simm.s32 $0x3B00  }
0x4b: {  	[tilespmem:s26], [sflag:$0x1] =	stream.indirect_vreg.gather [hbm4b:s11+s21], $0x80, v3, vm0, $0xb8;
	[tilespmem:$0x1F700] =	vst v63  }
0x4c: {  	v3 =	vld.msk [tilespmem:$0x20], $0xff;
	_ =	sdelay $0x4  }
0x4d: {  	v4 =	vshll.u32 v3, $0x2  }
0x4e: {  	v3 =	vand.u32 $0x7, v3;
	v4 =	vand.u32 $0xFFFFFFE0, v4  }
0x4f: {  	v3 =	vor.u32 v3, v4  }
0x50: {  	v3 =	vperm.xlane v3, v0;
	_ =	sdelay $0x1  }
0x51: {  	v3 =	vadd.s32 v1, v3;
	_ =	sdelay $0x3  }
0x52: {  	s24 =	simm.s32 $0x4300  }
0x53: {  	[tilespmem:s24], [sflag:$0x1] =	stream.indirect_vreg.gather [hbm4b:s6+s21], $0x80, v3, vm0, $0xb8;
	[tilespmem:$0x1F700] =	vst v63  }
0x54: {  	s25 =	simm.s32 $0x4B00  }
0x55: {  	[tilespmem:s25], [sflag:$0x1] =	stream.indirect_vreg.gather [hbm4b:s11+s21], $0x80, v3, vm0, $0xb8;
	[tilespmem:$0x1F700] =	vst v63  }
0x56: {  	_ =	swait.ge [sflag:s28], $0x5000  }
0x57: {  	[sflag:s28] =	ssyncset.done $0x0  }
0x58: {  	[sflag:s28] =	ssyncadd.s32 $0xFFFFB000  }
0x59: {  	v3 =	vld [tilespmem:$0x28];
	_ =	sdelay $0x4  }
0x5a: {  	v4 =	vshll.u32 v3, $0x2  }
0x5b: {  	v3 =	vand.u32 $0x7, v3;
	v4 =	vand.u32 $0xFFFFFFE0, v4  }
0x5c: {  	v3 =	vor.u32 v3, v4  }
0x5d: {  	v4 =	vperm.xlane v3, v0;
	_ =	sdelay $0x1  }
0x5e: {  	v4 =	vadd.s32 v1, v4;
	_ =	sdelay $0x1  }
0x5f: {  	v3 =	vperm.xlane v3, v2;
	_ =	sdelay $0x1  }
0x60: {  	v3 =	vadd.s32 v1, v3  }
0x61: {  	[tilespmem:s29], [sflag:$0x2] =	stream.indirect_vreg.gather [hbm4b:s6+s21], $0x80, v4, vm0, $0xb8;
	[tilespmem:$0x1F700] =	vst v63  }
0x62: {  	_ = 	snop  }
0x63: {  	[tilespmem:s30], [sflag:$0x2] =	stream.indirect_vreg.gather [hbm4b:s11+s21], $0x80, v4, vm0, $0xb8;
	[tilespmem:$0x1F700] =	vst v63  }
0x64: {  	_ = 	snop  }
0x65: {  	[tilespmem:s31], [sflag:$0x2] =	stream.indirect_vreg.gather [hbm4b:s6+s21], $0x80, v3, vm0, $0xb8;
	[tilespmem:$0x1F700] =	vst v63  }
0x66: {  	_ = 	snop  }
0x67: {  	[tilespmem:s0], [sflag:$0x2] =	stream.indirect_vreg.gather [hbm4b:s11+s21], $0x80, v3, vm0, $0xb8;
	[tilespmem:$0x1F700] =	vst v63  }
0x68: {  	v3 =	vld [tilespmem:$0x38];
	_ =	sdelay $0x4  }
0x69: {  	v4 =	vshll.u32 v3, $0x2  }
0x6a: {  	v3 =	vand.u32 $0x7, v3;
	v4 =	vand.u32 $0xFFFFFFE0, v4  }
0x6b: {  	v3 =	vor.u32 v3, v4  }
0x6c: {  	v4 =	vperm.xlane v3, v0;
	_ =	sdelay $0x1  }
0x6d: {  	v4 =	vadd.s32 v1, v4;
	_ =	sdelay $0x1  }
0x6e: {  	v3 =	vperm.xlane v3, v2;
	_ =	sdelay $0x1  }
0x6f: {  	v3 =	vadd.s32 v1, v3  }
0x70: {  	[tilespmem:s7], [sflag:$0x2] =	stream.indirect_vreg.gather [hbm4b:s6+s21], $0x80, v4, vm0, $0xb8;
	[tilespmem:$0x1F700] =	vst v63  }
0x71: {  	_ = 	snop  }
0x72: {  	[tilespmem:s12], [sflag:$0x2] =	stream.indirect_vreg.gather [hbm4b:s11+s21], $0x80, v4, vm0, $0xb8;
	[tilespmem:$0x1F700] =	vst v63  }
0x73: {  	_ = 	snop  }
0x74: {  	[tilespmem:s13], [sflag:$0x2] =	stream.indirect_vreg.gather [hbm4b:s6+s21], $0x80, v3, vm0, $0xb8;
	[tilespmem:$0x1F700] =	vst v63  }
0x75: {  	_ = 	snop  }
0x76: {  	[tilespmem:s14], [sflag:$0x2] =	stream.indirect_vreg.gather [hbm4b:s11+s21], $0x80, v3, vm0, $0xb8;
	[tilespmem:$0x1F700] =	vst v63  }
0x77: {  	v3 =	vld.msk [tilespmem:$0x48], $0xff;
	_ =	sdelay $0x4  }
0x78: {  	v4 =	vshll.u32 v3, $0x2  }
0x79: {  	v3 =	vand.u32 $0x7, v3;
	v4 =	vand.u32 $0xFFFFFFE0, v4  }
0x7a: {  	v3 =	vor.u32 v3, v4  }
0x7b: {  	v3 =	vperm.xlane v3, v0;
	_ =	sdelay $0x1  }
0x7c: {  	v3 =	vadd.s32 v1, v3;
	_ =	sdelay $0x4  }
0x7d: {  	[tilespmem:s8], [sflag:$0x2] =	stream.indirect_vreg.gather [hbm4b:s6+s21], $0x80, v3, vm0, $0xb8;
	[tilespmem:$0x1F700] =	vst v63  }
0x7e: {  	s26 =	sand.u32 $0x7000, s21;
	s24 =	sand.u32 $0x380, s21  }
0x7f: {  	[tilespmem:s3], [sflag:$0x2] =	stream.indirect_vreg.gather [hbm4b:s11+s21], $0x80, v3, vm0, $0xb8;
	[tilespmem:$0x1F700] =	vst v63  }
0x80: {  	s23 =	sor.u32 s24, s26;
	v4 =	vld [tilespmem:s22+$0x0]  }
0x81: {  	v7 =	vld [tilespmem:s23+$0x300]  }
0x82: {  	v8 =	vld [tilespmem:s23+$0x700];
	_ =	sdelay $0x1  }
0x83: {  	v9 =	vld [tilespmem:s23+$0xB00]  }
0x84: {  	v6 =	vbroadcast v4, $0x0;
	v5 =	vbroadcast v4, $0x1  }
0x85: {  	v10 =	vld [tilespmem:s23+$0xF00];
	v3 =	vbroadcast v4, $0x2  }
0x86: {  	v7 =	vmul.f32 v7, v6;
	v8 =	vmul.f32 v8, v5;
	_ =	sdelay $0x1  }
0x87: {  	v4 =	vbroadcast v4, $0x3;
	v7 =	vadd.f32 v8, v7;
	v8 =	vmul.f32 v9, v3;
	_ =	sdelay $0x1  }
0x88: {  	v7 =	vadd.f32 v8, v7;
	v8 =	vmul.f32 v10, v4;
	_ =	sdelay $0x1  }
0x89: {  	v7 =	vadd.f32 v8, v7  }
0x8a: {  	s24 =	simm.s32 $0x0  }
0x8b: {  	[tilespmem:s24+$0xA300] =	vst v7  }
0x8c: {  	v7 =	vld [tilespmem:s23+$0x310]  }
0x8d: {  	v8 =	vld [tilespmem:s23+$0x710];
	_ =	sdelay $0x1  }
0x8e: {  	v52 =	vld [tilespmem:s23+$0xB10];
	_ =	sdelay $0x1  }
0x8f: {  	v53 =	vld [tilespmem:s23+$0xF10]  }
0x90: {  	v7 =	vmul.f32 v7, v6;
	v8 =	vmul.f32 v8, v5;
	_ =	sdelay $0x1  }
0x91: {  	v7 =	vadd.f32 v8, v7;
	v8 =	vmul.f32 v52, v3;
	_ =	sdelay $0x1  }
0x92: {  	v7 =	vadd.f32 v8, v7;
	v8 =	vmul.f32 v53, v4;
	_ =	sdelay $0x1  }
0x93: {  	v7 =	vadd.f32 v8, v7;
	_ =	sdelay $0x1  }
0x94: {  	[tilespmem:s24+$0xA310] =	vst v7  }
0x95: {  	v7 =	vld [tilespmem:s23+$0x320]  }
0x96: {  	v8 =	vld [tilespmem:s23+$0x720];
	_ =	sdelay $0x1  }
0x97: {  	v54 =	vld [tilespmem:s23+$0xB20];
	_ =	sdelay $0x1  }
0x98: {  	v55 =	vld [tilespmem:s23+$0xF20]  }
0x99: {  	v7 =	vmul.f32 v7, v6;
	v8 =	vmul.f32 v8, v5;
	_ =	sdelay $0x1  }
0x9a: {  	v7 =	vadd.f32 v8, v7;
	v8 =	vmul.f32 v54, v3;
	_ =	sdelay $0x1  }
0x9b: {  	v7 =	vadd.f32 v8, v7;
	v8 =	vmul.f32 v55, v4;
	_ =	sdelay $0x1  }
0x9c: {  	v7 =	vadd.f32 v8, v7;
	_ =	sdelay $0x1  }
0x9d: {  	[tilespmem:s24+$0xA320] =	vst v7  }
0x9e: {  	v7 =	vld [tilespmem:s23+$0x330]  }
0x9f: {  	v8 =	vld [tilespmem:s23+$0x730];
	_ =	sdelay $0x1  }
0xa0: {  	v56 =	vld [tilespmem:s23+$0xB30];
	_ =	sdelay $0x1  }
0xa1: {  	v57 =	vld [tilespmem:s23+$0xF30]  }
0xa2: {  	v7 =	vmul.f32 v7, v6;
	v8 =	vmul.f32 v8, v5;
	_ =	sdelay $0x1  }
0xa3: {  	v7 =	vadd.f32 v8, v7;
	v8 =	vmul.f32 v56, v3;
	_ =	sdelay $0x1  }
0xa4: {  	v7 =	vadd.f32 v8, v7;
	v8 =	vmul.f32 v57, v4;
	_ =	sdelay $0x1  }
0xa5: {  	v7 =	vadd.f32 v8, v7;
	_ =	sdelay $0x1  }
0xa6: {  	[tilespmem:s24+$0xA330] =	vst v7  }
0xa7: {  	v7 =	vld [tilespmem:s23+$0x340]  }
0xa8: {  	v8 =	vld [tilespmem:s23+$0x740];
	_ =	sdelay $0x1  }
0xa9: {  	v58 =	vld [tilespmem:s23+$0xB40];
	_ =	sdelay $0x1  }
0xaa: {  	v59 =	vld [tilespmem:s23+$0xF40]  }
0xab: {  	v7 =	vmul.f32 v7, v6;
	v8 =	vmul.f32 v8, v5;
	_ =	sdelay $0x1  }
0xac: {  	v9 =	vmul.f32 v58, v3;
	v7 =	vadd.f32 v8, v7;
	_ =	sdelay $0x1  }
0xad: {  	v8 =	vmul.f32 v59, v4;
	v7 =	vadd.f32 v9, v7;
	_ =	sdelay $0x1  }
0xae: {  	v7 =	vadd.f32 v8, v7;
	_ =	sdelay $0x1  }
0xaf: {  	[tilespmem:s24+$0xA340] =	vst v7  }
0xb0: {  	v7 =	vld [tilespmem:s23+$0x350]  }
0xb1: {  	v8 =	vld [tilespmem:s23+$0x750];
	_ =	sdelay $0x1  }
0xb2: {  	v60 =	vld [tilespmem:s23+$0xB50];
	_ =	sdelay $0x1  }
0xb3: {  	v61 =	vld [tilespmem:s23+$0xF50]  }
0xb4: {  	v7 =	vmul.f32 v7, v6;
	v8 =	vmul.f32 v8, v5;
	_ =	sdelay $0x1  }
0xb5: {  	v9 =	vmul.f32 v60, v3;
	v7 =	vadd.f32 v8, v7;
	_ =	sdelay $0x1  }
0xb6: {  	v8 =	vmul.f32 v61, v4;
	v7 =	vadd.f32 v9, v7;
	_ =	sdelay $0x1  }
0xb7: {  	v7 =	vadd.f32 v8, v7;
	_ =	sdelay $0x1  }
0xb8: {  	[tilespmem:s24+$0xA350] =	vst v7  }
0xb9: {  	v7 =	vld [tilespmem:s23+$0x360]  }
0xba: {  	v8 =	vld [tilespmem:s23+$0x760];
	_ =	sdelay $0x1  }
0xbb: {  	v62 =	vld [tilespmem:s23+$0xB60];
	_ =	sdelay $0x1  }
0xbc: {  	v63 =	vld [tilespmem:s23+$0xF60]  }
0xbd: {  	v7 =	vmul.f32 v7, v6;
	v8 =	vmul.f32 v8, v5;
	_ =	sdelay $0x1  }
0xbe: {  	v9 =	vmul.f32 v62, v3;
	v7 =	vadd.f32 v8, v7;
	_ =	sdelay $0x1  }
0xbf: {  	v8 =	vmul.f32 v63, v4;
	v7 =	vadd.f32 v9, v7;
	_ =	sdelay $0x1  }
0xc0: {  	s25 =	simm.s32 $0x80;
	v7 =	vadd.f32 v8, v7  }
.LBB2_3:
0xc1: {  	_ = 	snop  }
0xc2: {  	p1 =	sne.s32 s25, $0x1380;
	s22 =	sadd.s32 $0x4, s22;
	s21 =	sadd.s32 $0x200, s21;
	[tilespmem:s24+$0xA360] =	vst v7  }
0xc3: {  	s26 =	smov.u32 s25;
	s25 =	sadd.s32 $0x80, s25;
	v7 =	vld [tilespmem:s23+$0x370]  }
0xc4: {  	v8 =	vld [tilespmem:s23+$0x770]  }
0xc5: {  	v9 =	vld [tilespmem:s23+$0xB70]  }
0xc6: {  	v10 =	vld [tilespmem:s23+$0xF70];
	_ =	sdelay $0x1  }
0xc7: {  	v6 =	vmul.f32 v7, v6  }
0xc8: {  	v5 =	vmul.f32 v8, v5  }
0xc9: {  	s26 =	sand.u32 $0x380, s26;
	s23 =	sand.u32 $0x7000, s21;
	v3 =	vmul.f32 v9, v3  }
0xca: {  	s23 =	sor.u32 s26, s23;
	v5 =	vadd.f32 v5, v6;
	v4 =	vmul.f32 v10, v4;
	_ =	sdelay $0x1  }
0xcb: {  	v3 =	vadd.f32 v3, v5;
	_ =	sdelay $0x1  }
0xcc: {  	v3 =	vadd.f32 v4, v3;
	_ =	sdelay $0x1  }
0xcd: {  	[tilespmem:s24+$0xA370] =	vst v3  }
0xce: {  	v4 =	vld [tilespmem:s22+$0x0]  }
0xcf: {  	v7 =	vld [tilespmem:s23+$0x300]  }
0xd0: {  	v8 =	vld [tilespmem:s23+$0x700];
	_ =	sdelay $0x1  }
0xd1: {  	v9 =	vld [tilespmem:s23+$0xB00]  }
0xd2: {  	v6 =	vbroadcast v4, $0x0;
	v5 =	vbroadcast v4, $0x1  }
0xd3: {  	v3 =	vbroadcast v4, $0x2;
	v4 =	vbroadcast v4, $0x3;
	v10 =	vld [tilespmem:s23+$0xF00]  }
0xd4: {  	v7 =	vmul.f32 v7, v6;
	v8 =	vmul.f32 v8, v5;
	_ =	sdelay $0x1  }
0xd5: {  	v7 =	vadd.f32 v8, v7;
	v8 =	vmul.f32 v9, v3;
	_ =	sdelay $0x1  }
0xd6: {  	v7 =	vadd.f32 v8, v7;
	v8 =	vmul.f32 v10, v4;
	_ =	sdelay $0x1  }
0xd7: {  	v7 =	vadd.f32 v8, v7  }
0xd8: {  	s24 =	sshra.s32 s21, $0x2  }
0xd9: {  	[tilespmem:s24+$0xA300] =	vst v7  }
0xda: {  	v7 =	vld [tilespmem:s23+$0x310]  }
0xdb: {  	v8 =	vld [tilespmem:s23+$0x710]  }
0xdc: {  	v9 =	vld [tilespmem:s23+$0xB10];
	_ =	sdelay $0x2  }
0xdd: {  	v7 =	vmul.f32 v7, v6;
	v10 =	vld [tilespmem:s23+$0xF10]  }
0xde: {  	v8 =	vmul.f32 v8, v5;
	_ =	sdelay $0x1  }
0xdf: {  	v7 =	vadd.f32 v8, v7;
	v8 =	vmul.f32 v9, v3;
	_ =	sdelay $0x1  }
0xe0: {  	v7 =	vadd.f32 v8, v7;
	v8 =	vmul.f32 v10, v4;
	_ =	sdelay $0x1  }
0xe1: {  	v7 =	vadd.f32 v8, v7;
	_ =	sdelay $0x1  }
0xe2: {  	[tilespmem:s24+$0xA310] =	vst v7  }
0xe3: {  	v7 =	vld [tilespmem:s23+$0x320]  }
0xe4: {  	v8 =	vld [tilespmem:s23+$0x720];
	_ =	sdelay $0x1  }
0xe5: {  	v9 =	vld [tilespmem:s23+$0xB20];
	_ =	sdelay $0x1  }
0xe6: {  	v7 =	vmul.f32 v7, v6;
	v10 =	vld [tilespmem:s23+$0xF20]  }
0xe7: {  	v8 =	vmul.f32 v8, v5;
	_ =	sdelay $0x1  }
0xe8: {  	v7 =	vadd.f32 v8, v7;
	v8 =	vmul.f32 v9, v3;
	_ =	sdelay $0x1  }
0xe9: {  	v7 =	vadd.f32 v8, v7;
	v8 =	vmul.f32 v10, v4;
	_ =	sdelay $0x1  }
0xea: {  	v7 =	vadd.f32 v8, v7;
	_ =	sdelay $0x1  }
0xeb: {  	[tilespmem:s24+$0xA320] =	vst v7  }
0xec: {  	v7 =	vld [tilespmem:s23+$0x330]  }
0xed: {  	v8 =	vld [tilespmem:s23+$0x730];
	_ =	sdelay $0x1  }
0xee: {  	v9 =	vld [tilespmem:s23+$0xB30];
	_ =	sdelay $0x1  }
0xef: {  	v7 =	vmul.f32 v7, v6;
	v10 =	vld [tilespmem:s23+$0xF30]  }
0xf0: {  	v8 =	vmul.f32 v8, v5;
	_ =	sdelay $0x1  }
0xf1: {  	v7 =	vadd.f32 v8, v7;
	v8 =	vmul.f32 v9, v3;
	_ =	sdelay $0x1  }
0xf2: {  	v7 =	vadd.f32 v8, v7;
	v8 =	vmul.f32 v10, v4;
	_ =	sdelay $0x1  }
0xf3: {  	v7 =	vadd.f32 v8, v7;
	_ =	sdelay $0x1  }
0xf4: {  	[tilespmem:s24+$0xA330] =	vst v7  }
0xf5: {  	v7 =	vld [tilespmem:s23+$0x340]  }
0xf6: {  	v8 =	vld [tilespmem:s23+$0x740]  }
0xf7: {  	v9 =	vld [tilespmem:s23+$0xB40]  }
0xf8: {  	v10 =	vld [tilespmem:s23+$0xF40];
	_ =	sdelay $0x1  }
0xf9: {  	v7 =	vmul.f32 v7, v6  }
0xfa: {  	v8 =	vmul.f32 v8, v5  }
0xfb: {  	v9 =	vmul.f32 v9, v3  }
0xfc: {  	v7 =	vadd.f32 v8, v7;
	v8 =	vmul.f32 v10, v4;
	_ =	sdelay $0x1  }
0xfd: {  	v7 =	vadd.f32 v9, v7;
	_ =	sdelay $0x1  }
0xfe: {  	v7 =	vadd.f32 v8, v7;
	_ =	sdelay $0x1  }
0xff: {  	[tilespmem:s24+$0xA340] =	vst v7  }
0x100: {  	v7 =	vld [tilespmem:s23+$0x350]  }
0x101: {  	v8 =	vld [tilespmem:s23+$0x750]  }
0x102: {  	v9 =	vld [tilespmem:s23+$0xB50]  }
0x103: {  	v10 =	vld [tilespmem:s23+$0xF50];
	_ =	sdelay $0x1  }
0x104: {  	v7 =	vmul.f32 v7, v6  }
0x105: {  	v8 =	vmul.f32 v8, v5  }
0x106: {  	v9 =	vmul.f32 v9, v3  }
0x107: {  	v7 =	vadd.f32 v8, v7;
	v8 =	vmul.f32 v10, v4;
	_ =	sdelay $0x1  }
0x108: {  	v7 =	vadd.f32 v9, v7;
	_ =	sdelay $0x1  }
0x109: {  	v7 =	vadd.f32 v8, v7;
	_ =	sdelay $0x1  }
0x10a: {  	[tilespmem:s24+$0xA350] =	vst v7  }
0x10b: {  	v7 =	vld [tilespmem:s23+$0x360]  }
0x10c: {  	v8 =	vld [tilespmem:s23+$0x760]  }
0x10d: {  	v9 =	vld [tilespmem:s23+$0xB60]  }
0x10e: {  	v10 =	vld [tilespmem:s23+$0xF60];
	_ =	sdelay $0x1  }
0x10f: {  	v7 =	vmul.f32 v7, v6  }
0x110: {  	v8 =	vmul.f32 v8, v5  }
0x111: {  	v9 =	vmul.f32 v9, v3  }
.Ltmp0:
0x112: {  	v7 =	vadd.f32 v8, v7;
	v8 =	vmul.f32 v10, v4;
	(pc) =	sbr.rel @p1 .LBB2_3-.Ltmp0, $3  }
0x113: {  	_ = 	snop  }
0x114: {  	v7 =	vadd.f32 v9, v7;
	_ =	sdelay $0x1  }
0x115: {  	v7 =	vadd.f32 v8, v7  }
0x116: {  	_ = 	snop  }
0x117: {  	[tilespmem:s24+$0xA360] =	vst v7  }
0x118: {  	v7 =	vld [tilespmem:s23+$0x370]  }
0x119: {  	v8 =	vld [tilespmem:s23+$0x770];
	_ =	sdelay $0x1  }
0x11a: {  	v9 =	vld [tilespmem:s23+$0xB70];
	_ =	sdelay $0x1  }
0x11b: {  	v10 =	vld [tilespmem:s23+$0xF70]  }
0x11c: {  	v6 =	vmul.f32 v7, v6;
	v5 =	vmul.f32 v8, v5;
	_ =	sdelay $0x1  }
0x11d: {  	v3 =	vmul.f32 v9, v3;
	v5 =	vadd.f32 v5, v6;
	_ =	sdelay $0x1  }
0x11e: {  	v4 =	vmul.f32 v10, v4;
	v3 =	vadd.f32 v3, v5;
	_ =	sdelay $0x1  }
0x11f: {  	v3 =	vadd.f32 v4, v3;
	_ =	sdelay $0x1  }
0x120: {  	[tilespmem:s24+$0xA370] =	vst v3  }
0x121: {  	[spmem:s2] =	stream.indirect.scatter.add.f32 [tilespmem:s17], [sflag:$0x3], $0x80, s16, s1, $0xb8;
	[tilespmem:$0x1F700] =	vst v63  }
0x122: {  	_ =	swait.ge [sflag:s15], $0x1400  }
0x123: {  	[sflag:s15] =	ssyncset.done $0x0  }
0x124: {  	[sflag:s15] =	ssyncadd.s32 $0xFFFFEC00  }
0x125: {  	_ =	swait.ge [sflag:s18], $0x5000  }
0x126: {  	s21 =	simm.s32 $0x0;
	s22 =	simm.s32 $0x220;
	[sflag:s18] =	ssyncset.done $0x0  }
0x127: {  	s25 =	sand.u32 $0x7000, s21;
	s26 =	sand.u32 $0x380, s21;
	[sflag:s18] =	ssyncadd.s32 $0xFFFFB000  }
0x128: {  	s23 =	sor.u32 s26, s25;
	v4 =	vld [tilespmem:s22+$0x0]  }
0x129: {  	v7 =	vld [tilespmem:s23+$0x5300]  }
0x12a: {  	v8 =	vld [tilespmem:s23+$0x5700];
	_ =	sdelay $0x1  }
0x12b: {  	v50 =	vld [tilespmem:s23+$0x5B00]  }
0x12c: {  	v6 =	vbroadcast v4, $0x0;
	v5 =	vbroadcast v4, $0x1  }
0x12d: {  	v51 =	vld [tilespmem:s23+$0x5F00];
	v3 =	vbroadcast v4, $0x2  }
0x12e: {  	v7 =	vmul.f32 v7, v6;
	v8 =	vmul.f32 v8, v5;
	_ =	sdelay $0x1  }
0x12f: {  	v4 =	vbroadcast v4, $0x3;
	v7 =	vadd.f32 v8, v7;
	v8 =	vmul.f32 v50, v3;
	_ =	sdelay $0x1  }
0x130: {  	v7 =	vadd.f32 v8, v7;
	v8 =	vmul.f32 v51, v4;
	_ =	sdelay $0x1  }
0x131: {  	v7 =	vadd.f32 v8, v7  }
0x132: {  	s24 =	simm.s32 $0x0  }
0x133: {  	[tilespmem:s24+$0xA300] =	vst v7  }
0x134: {  	v7 =	vld [tilespmem:s23+$0x5310]  }
0x135: {  	v8 =	vld [tilespmem:s23+$0x5710];
	_ =	sdelay $0x1  }
0x136: {  	v52 =	vld [tilespmem:s23+$0x5B10];
	_ =	sdelay $0x1  }
0x137: {  	v53 =	vld [tilespmem:s23+$0x5F10]  }
0x138: {  	v7 =	vmul.f32 v7, v6;
	v8 =	vmul.f32 v8, v5;
	_ =	sdelay $0x1  }
0x139: {  	v7 =	vadd.f32 v8, v7;
	v8 =	vmul.f32 v52, v3;
	_ =	sdelay $0x1  }
0x13a: {  	v7 =	vadd.f32 v8, v7;
	v8 =	vmul.f32 v53, v4;
	_ =	sdelay $0x1  }
0x13b: {  	v7 =	vadd.f32 v8, v7;
	_ =	sdelay $0x1  }
0x13c: {  	[tilespmem:s24+$0xA310] =	vst v7  }
0x13d: {  	v7 =	vld [tilespmem:s23+$0x5320]  }
0x13e: {  	v8 =	vld [tilespmem:s23+$0x5720];
	_ =	sdelay $0x1  }
0x13f: {  	v54 =	vld [tilespmem:s23+$0x5B20];
	_ =	sdelay $0x1  }
0x140: {  	v55 =	vld [tilespmem:s23+$0x5F20]  }
0x141: {  	v7 =	vmul.f32 v7, v6;
	v8 =	vmul.f32 v8, v5;
	_ =	sdelay $0x1  }
0x142: {  	v7 =	vadd.f32 v8, v7;
	v8 =	vmul.f32 v54, v3;
	_ =	sdelay $0x1  }
0x143: {  	v7 =	vadd.f32 v8, v7;
	v8 =	vmul.f32 v55, v4;
	_ =	sdelay $0x1  }
0x144: {  	v7 =	vadd.f32 v8, v7;
	_ =	sdelay $0x1  }
0x145: {  	[tilespmem:s24+$0xA320] =	vst v7  }
0x146: {  	v7 =	vld [tilespmem:s23+$0x5330]  }
0x147: {  	v8 =	vld [tilespmem:s23+$0x5730];
	_ =	sdelay $0x1  }
0x148: {  	v56 =	vld [tilespmem:s23+$0x5B30];
	_ =	sdelay $0x1  }
0x149: {  	v57 =	vld [tilespmem:s23+$0x5F30]  }
0x14a: {  	v7 =	vmul.f32 v7, v6;
	v8 =	vmul.f32 v8, v5;
	_ =	sdelay $0x1  }
0x14b: {  	v7 =	vadd.f32 v8, v7;
	v8 =	vmul.f32 v56, v3;
	_ =	sdelay $0x1  }
0x14c: {  	v7 =	vadd.f32 v8, v7;
	v8 =	vmul.f32 v57, v4;
	_ =	sdelay $0x1  }
0x14d: {  	v7 =	vadd.f32 v8, v7;
	_ =	sdelay $0x1  }
0x14e: {  	[tilespmem:s24+$0xA330] =	vst v7  }
0x14f: {  	v7 =	vld [tilespmem:s23+$0x5340]  }
0x150: {  	v8 =	vld [tilespmem:s23+$0x5740];
	_ =	sdelay $0x1  }
0x151: {  	v58 =	vld [tilespmem:s23+$0x5B40];
	_ =	sdelay $0x1  }
0x152: {  	v59 =	vld [tilespmem:s23+$0x5F40]  }
0x153: {  	v7 =	vmul.f32 v7, v6;
	v8 =	vmul.f32 v8, v5;
	_ =	sdelay $0x1  }
0x154: {  	v9 =	vmul.f32 v58, v3;
	v7 =	vadd.f32 v8, v7;
	_ =	sdelay $0x1  }
0x155: {  	v8 =	vmul.f32 v59, v4;
	v7 =	vadd.f32 v9, v7;
	_ =	sdelay $0x1  }
0x156: {  	v7 =	vadd.f32 v8, v7;
	_ =	sdelay $0x1  }
0x157: {  	[tilespmem:s24+$0xA340] =	vst v7  }
0x158: {  	v7 =	vld [tilespmem:s23+$0x5350]  }
0x159: {  	v8 =	vld [tilespmem:s23+$0x5750];
	_ =	sdelay $0x1  }
0x15a: {  	v60 =	vld [tilespmem:s23+$0x5B50];
	_ =	sdelay $0x1  }
0x15b: {  	v61 =	vld [tilespmem:s23+$0x5F50]  }
0x15c: {  	v7 =	vmul.f32 v7, v6;
	v8 =	vmul.f32 v8, v5;
	_ =	sdelay $0x1  }
0x15d: {  	v9 =	vmul.f32 v60, v3;
	v7 =	vadd.f32 v8, v7;
	_ =	sdelay $0x1  }
0x15e: {  	v8 =	vmul.f32 v61, v4;
	v7 =	vadd.f32 v9, v7;
	_ =	sdelay $0x1  }
0x15f: {  	v7 =	vadd.f32 v8, v7;
	_ =	sdelay $0x1  }
0x160: {  	[tilespmem:s24+$0xA350] =	vst v7  }
0x161: {  	v7 =	vld [tilespmem:s23+$0x5360]  }
0x162: {  	v8 =	vld [tilespmem:s23+$0x5760];
	_ =	sdelay $0x1  }
0x163: {  	v62 =	vld [tilespmem:s23+$0x5B60];
	_ =	sdelay $0x1  }
0x164: {  	v63 =	vld [tilespmem:s23+$0x5F60]  }
0x165: {  	v7 =	vmul.f32 v7, v6;
	v8 =	vmul.f32 v8, v5;
	_ =	sdelay $0x1  }
0x166: {  	v9 =	vmul.f32 v62, v3;
	v7 =	vadd.f32 v8, v7;
	_ =	sdelay $0x1  }
0x167: {  	v8 =	vmul.f32 v63, v4;
	v7 =	vadd.f32 v9, v7;
	_ =	sdelay $0x1  }
0x168: {  	s25 =	simm.s32 $0x80;
	v7 =	vadd.f32 v8, v7  }
.LBB2_5:
0x169: {  	_ = 	snop  }
0x16a: {  	p1 =	sne.s32 s25, $0x1380;
	s22 =	sadd.s32 $0x4, s22;
	s21 =	sadd.s32 $0x200, s21;
	[tilespmem:s24+$0xA360] =	vst v7  }
0x16b: {  	s26 =	smov.u32 s25;
	s25 =	sadd.s32 $0x80, s25;
	v7 =	vld [tilespmem:s23+$0x5370]  }
0x16c: {  	v8 =	vld [tilespmem:s23+$0x5770]  }
0x16d: {  	v9 =	vld [tilespmem:s23+$0x5B70]  }
0x16e: {  	v10 =	vld [tilespmem:s23+$0x5F70];
	_ =	sdelay $0x1  }
0x16f: {  	v6 =	vmul.f32 v7, v6  }
0x170: {  	v5 =	vmul.f32 v8, v5  }
0x171: {  	s26 =	sand.u32 $0x380, s26;
	s23 =	sand.u32 $0x7000, s21;
	v3 =	vmul.f32 v9, v3  }
0x172: {  	s23 =	sor.u32 s26, s23;
	v5 =	vadd.f32 v5, v6;
	v4 =	vmul.f32 v10, v4;
	_ =	sdelay $0x1  }
0x173: {  	v3 =	vadd.f32 v3, v5;
	_ =	sdelay $0x1  }
0x174: {  	v3 =	vadd.f32 v4, v3;
	_ =	sdelay $0x1  }
0x175: {  	[tilespmem:s24+$0xA370] =	vst v3  }
0x176: {  	v4 =	vld [tilespmem:s22+$0x0]  }
0x177: {  	v7 =	vld [tilespmem:s23+$0x5300]  }
0x178: {  	v8 =	vld [tilespmem:s23+$0x5700];
	_ =	sdelay $0x1  }
0x179: {  	v9 =	vld [tilespmem:s23+$0x5B00]  }
0x17a: {  	v6 =	vbroadcast v4, $0x0;
	v5 =	vbroadcast v4, $0x1  }
0x17b: {  	v3 =	vbroadcast v4, $0x2;
	v4 =	vbroadcast v4, $0x3;
	v10 =	vld [tilespmem:s23+$0x5F00]  }
0x17c: {  	v7 =	vmul.f32 v7, v6;
	v8 =	vmul.f32 v8, v5;
	_ =	sdelay $0x1  }
0x17d: {  	v7 =	vadd.f32 v8, v7;
	v8 =	vmul.f32 v9, v3;
	_ =	sdelay $0x1  }
0x17e: {  	v7 =	vadd.f32 v8, v7;
	v8 =	vmul.f32 v10, v4;
	_ =	sdelay $0x1  }
0x17f: {  	v7 =	vadd.f32 v8, v7  }
0x180: {  	s24 =	sshra.s32 s21, $0x2  }
0x181: {  	[tilespmem:s24+$0xA300] =	vst v7  }
0x182: {  	v7 =	vld [tilespmem:s23+$0x5310]  }
0x183: {  	v8 =	vld [tilespmem:s23+$0x5710]  }
0x184: {  	v9 =	vld [tilespmem:s23+$0x5B10];
	_ =	sdelay $0x2  }
0x185: {  	v7 =	vmul.f32 v7, v6;
	v10 =	vld [tilespmem:s23+$0x5F10]  }
0x186: {  	v8 =	vmul.f32 v8, v5;
	_ =	sdelay $0x1  }
0x187: {  	v7 =	vadd.f32 v8, v7;
	v8 =	vmul.f32 v9, v3;
	_ =	sdelay $0x1  }
0x188: {  	v7 =	vadd.f32 v8, v7;
	v8 =	vmul.f32 v10, v4;
	_ =	sdelay $0x1  }
0x189: {  	v7 =	vadd.f32 v8, v7;
	_ =	sdelay $0x1  }
0x18a: {  	[tilespmem:s24+$0xA310] =	vst v7  }
0x18b: {  	v7 =	vld [tilespmem:s23+$0x5320]  }
0x18c: {  	v8 =	vld [tilespmem:s23+$0x5720];
	_ =	sdelay $0x1  }
0x18d: {  	v9 =	vld [tilespmem:s23+$0x5B20];
	_ =	sdelay $0x1  }
0x18e: {  	v7 =	vmul.f32 v7, v6;
	v10 =	vld [tilespmem:s23+$0x5F20]  }
0x18f: {  	v8 =	vmul.f32 v8, v5;
	_ =	sdelay $0x1  }
0x190: {  	v7 =	vadd.f32 v8, v7;
	v8 =	vmul.f32 v9, v3;
	_ =	sdelay $0x1  }
0x191: {  	v7 =	vadd.f32 v8, v7;
	v8 =	vmul.f32 v10, v4;
	_ =	sdelay $0x1  }
0x192: {  	v7 =	vadd.f32 v8, v7;
	_ =	sdelay $0x1  }
0x193: {  	[tilespmem:s24+$0xA320] =	vst v7  }
0x194: {  	v7 =	vld [tilespmem:s23+$0x5330]  }
0x195: {  	v8 =	vld [tilespmem:s23+$0x5730];
	_ =	sdelay $0x1  }
0x196: {  	v9 =	vld [tilespmem:s23+$0x5B30];
	_ =	sdelay $0x1  }
0x197: {  	v7 =	vmul.f32 v7, v6;
	v10 =	vld [tilespmem:s23+$0x5F30]  }
0x198: {  	v8 =	vmul.f32 v8, v5;
	_ =	sdelay $0x1  }
0x199: {  	v7 =	vadd.f32 v8, v7;
	v8 =	vmul.f32 v9, v3;
	_ =	sdelay $0x1  }
0x19a: {  	v7 =	vadd.f32 v8, v7;
	v8 =	vmul.f32 v10, v4;
	_ =	sdelay $0x1  }
0x19b: {  	v7 =	vadd.f32 v8, v7;
	_ =	sdelay $0x1  }
0x19c: {  	[tilespmem:s24+$0xA330] =	vst v7  }
0x19d: {  	v7 =	vld [tilespmem:s23+$0x5340]  }
0x19e: {  	v8 =	vld [tilespmem:s23+$0x5740]  }
0x19f: {  	v9 =	vld [tilespmem:s23+$0x5B40]  }
0x1a0: {  	v10 =	vld [tilespmem:s23+$0x5F40];
	_ =	sdelay $0x1  }
0x1a1: {  	v7 =	vmul.f32 v7, v6  }
0x1a2: {  	v8 =	vmul.f32 v8, v5  }
0x1a3: {  	v9 =	vmul.f32 v9, v3  }
0x1a4: {  	v7 =	vadd.f32 v8, v7;
	v8 =	vmul.f32 v10, v4;
	_ =	sdelay $0x1  }
0x1a5: {  	v7 =	vadd.f32 v9, v7;
	_ =	sdelay $0x1  }
0x1a6: {  	v7 =	vadd.f32 v8, v7;
	_ =	sdelay $0x1  }
0x1a7: {  	[tilespmem:s24+$0xA340] =	vst v7  }
0x1a8: {  	v7 =	vld [tilespmem:s23+$0x5350]  }
0x1a9: {  	v8 =	vld [tilespmem:s23+$0x5750]  }
0x1aa: {  	v9 =	vld [tilespmem:s23+$0x5B50]  }
0x1ab: {  	v10 =	vld [tilespmem:s23+$0x5F50];
	_ =	sdelay $0x1  }
0x1ac: {  	v7 =	vmul.f32 v7, v6  }
0x1ad: {  	v8 =	vmul.f32 v8, v5  }
0x1ae: {  	v9 =	vmul.f32 v9, v3  }
0x1af: {  	v7 =	vadd.f32 v8, v7;
	v8 =	vmul.f32 v10, v4;
	_ =	sdelay $0x1  }
0x1b0: {  	v7 =	vadd.f32 v9, v7;
	_ =	sdelay $0x1  }
0x1b1: {  	v7 =	vadd.f32 v8, v7;
	_ =	sdelay $0x1  }
0x1b2: {  	[tilespmem:s24+$0xA350] =	vst v7  }
0x1b3: {  	v7 =	vld [tilespmem:s23+$0x5360]  }
0x1b4: {  	v8 =	vld [tilespmem:s23+$0x5760]  }
0x1b5: {  	v9 =	vld [tilespmem:s23+$0x5B60]  }
0x1b6: {  	v10 =	vld [tilespmem:s23+$0x5F60];
	_ =	sdelay $0x1  }
0x1b7: {  	v7 =	vmul.f32 v7, v6  }
0x1b8: {  	v8 =	vmul.f32 v8, v5  }
0x1b9: {  	v9 =	vmul.f32 v9, v3  }
.Ltmp1:
0x1ba: {  	v7 =	vadd.f32 v8, v7;
	v8 =	vmul.f32 v10, v4;
	(pc) =	sbr.rel @p1 .LBB2_5-.Ltmp1, $3  }
0x1bb: {  	_ = 	snop  }
0x1bc: {  	v7 =	vadd.f32 v9, v7;
	_ =	sdelay $0x1  }
0x1bd: {  	v7 =	vadd.f32 v8, v7  }
0x1be: {  	_ = 	snop  }
0x1bf: {  	[tilespmem:s24+$0xA360] =	vst v7  }
0x1c0: {  	v7 =	vld [tilespmem:s23+$0x5370]  }
0x1c1: {  	v8 =	vld [tilespmem:s23+$0x5770];
	_ =	sdelay $0x1  }
0x1c2: {  	v9 =	vld [tilespmem:s23+$0x5B70];
	_ =	sdelay $0x1  }
0x1c3: {  	v10 =	vld [tilespmem:s23+$0x5F70]  }
0x1c4: {  	v6 =	vmul.f32 v7, v6;
	v5 =	vmul.f32 v8, v5;
	_ =	sdelay $0x1  }
0x1c5: {  	v3 =	vmul.f32 v9, v3;
	v5 =	vadd.f32 v5, v6;
	_ =	sdelay $0x1  }
0x1c6: {  	v4 =	vmul.f32 v10, v4;
	v3 =	vadd.f32 v3, v5;
	_ =	sdelay $0x1  }
0x1c7: {  	s20 =	sadd.s32 $0x1, s20;
	v3 =	vadd.f32 v4, v3  }
0x1c8: {  	p1 =	sne.s32 s20, $0x7D  }
.Ltmp2:
0x1c9: {  	[tilespmem:s24+$0xA370] =	vst v3;
	(pc) =	sbr.rel @p1 .LBB2_2-.Ltmp2, $4  }
0x1ca: {  	[spmem:s2] =	stream.indirect.scatter.add.f32 [tilespmem:s17], [sflag:$0x3], $0x80, s19, s1, $0xb8;
	[tilespmem:$0x1F700] =	vst v63  }
0x1cb: {  	_ =	swait.ge [sflag:s15], $0x1400  }
0x1cc: {  	[sflag:s15] =	ssyncset.done $0x0  }
0x1cd: {  	[sflag:s15] =	ssyncadd.s32 $0xFFFFEC00  }
0x1ce: {  	[bflag:$0x0] =	sbarrier.arrive $0xFFFF  }
0x1cf: {  	s22 =	rddreg [dreg:$0x6]  }
0x1d0: {  	s20 =	sshrl.u32 @!p0 s2, $0x3;
	s21 =	rddreg [dreg:$0x7]  }
0x1d1: {  	[hbm:s21], [sflag:s22] =	dma.local @!p0 [spmem:s20], $0x28000  }
0x1d2: {  	s20 =	simm.s32 @!p0 $0x3  }
0x1d3: {  	_ =	swait.ge @!p0 [sflag:s20], $0x28000  }
0x1d4: {  	s26 =	rddreg [dreg:$0x4]  }
0x1d5: {  	s23 =	rddreg [dreg:$0x8];
	s21 =	sadd.s32 $0x1, s26  }
0x1d6: {  	p1 =	sne.s32 s21, s23  }
.Ltmp3:
0x1d7: {  	_ = 	snop;
	(pc) =	sbr.rel @p1 .LBB2_1-.Ltmp3, $3  }
0x1d8: {  	_ =	sdelay $0x1  }
0x1d9: {  	[sflag:s20] =	ssyncset.done @!p0 $0x0  }
0x1da: {  	[sflag:s20] =	ssyncadd.s32 @!p0 $0xFFFD8000  }
0x1db: {  	_ =	sfence.sel $0x180000  }
0x1dc: {  	[bflag:$0x0] =	sbarrier.arrive $0xFFFF  }
0x1dd: {  	_ =	strace $0x9000004D  }
0x1de: {  	[bflag:$0x2] =	sbarrier.arrive $0xFFFF  }
0x1df: {  	s0 =	rddreg [dreg:$0x3]  }
0x1e0: {  	s0 =	sadd.s32 @!p0 $0x100000, s0  }
0x1e1: {  	[sflag:s0] =	ssyncadd.tile.s32 @!p0 $0x1;
	_ =	shalt  }
.Lfunc_end2:
_tile_overlayer_lowered:
.L_overlay_start_2:
0x1e2: {  	(tag) =	ssettag $0x2  }
0x1e3: {  	s0 =	rddreg [dreg:$0x0];
	s2 =	stileid.u32  }
0x1e4: {  	s1 =	rddreg [dreg:$0x1];
	p0 =	sne.s32 s2, $0x0  }
0x1e5: {  	s3 =	rddreg [dreg:$0x2];
	[bflag:$0x3] =	sbarrier.arrive $0xFFFF;
	s2 =	simm.s32 @!p0 $0x1C03  }
0x1e6: {  	[timem:s3], [sflag:s2] =	dma.local @!p0 [hbm:s0], s1  }
0x1e7: {  	s0 =	simm.s32 @!p0 $0x3  }
0x1e8: {  	_ =	swait.ge @!p0 [sflag:s0], s1  }
0x1e9: {  	s1 =	ssub.s32 @!p0 $0x0, s1;
	[sflag:s0] =	ssyncset.done @!p0 $0x0  }
0x1ea: {  	[sflag:s0] =	ssyncadd.s32 @!p0 s1  }
0x1eb: {  	[bflag:$0x3] =	sbarrier.arrive $0xFFFF  }
0x1ec: {  	_ =	shalt  }

// kernel: kernel.8.cloned.1.call-start
scs
__scs_entry_jumppad:
0x0: {  	(pc) =	sbr.rel $0x88, $3  }
0x1: {  	(tag) =	ssettag $0x0;
	lr =	simm.s32 $0x1  }
0x2: {  	[smem:$0x3F9B] =	sst lr;
	_ =	strace $0xD0000000  }
0x3: {  	_ = 	snop  }
0x4: {  	_ = 	snop  }
0x5: {  	_ = 	snop  }
0x6: {  	_ = 	snop  }
0x7: {  	_ = 	snop  }
__scs_overlays_trampoline_lowered:
0x8: {  	[smem:$0x3FAA] =	sst s0  }
0x9: {  	[smem:$0x3FAB] =	sst s1  }
0xa: {  	[smem:$0x3FAC] =	sst s2  }
0xb: {  	[smem:$0x3FAD] =	sst s3  }
0xc: {  	[smem:$0x3FAE] =	sst s4  }
0xd: {  	[smem:$0x3FAF] =	sst s5  }
0xe: {  	[smem:$0x3FB0] =	sst s6  }
0xf: {  	[smem:$0x3FB1] =	sst s7  }
0x10: {  	[smem:$0x3FB2] =	sst s8  }
0x11: {  	[smem:$0x3FB3] =	sst s9;
	s0 =	simm.s32 @!p0 $0x0  }
0x12: {  	s1 =	sld [smem:$0x3F99];
	s0 =	simm.s32 @p0 $0x1  }
0x13: {  	[smem:$0x3FB4] =	sst s0;
	s0 =	simm.s32 @!p1 $0x0  }
0x14: {  	s2 =	sld [smem:$0x3F98];
	s0 =	simm.s32 @p1 $0x1  }
0x15: {  	[smem:$0x3FB5] =	sst s0;
	s0 =	simm.s32 @!p2 $0x0  }
0x16: {  	s3 =	sld [smem:$0x3FDB];
	s0 =	simm.s32 @p2 $0x1  }
0x17: {  	s4 =	simm.s32 $0x1BF5;
	[smem:$0x3FB7] =	sst s0  }
0x18: {  	s0 =	sld [smem:$0x3F9A];
	_ =	swait.ge [sflag:s4], $0x0  }
0x19: {  	s7 =	sld [smem:$0x3F9B]  }
0x1a: {  	s8 =	sadd.s32 $0xFFFFE003, lr  }
0x1b: {  	s9 =	sadd.s32 $0xFFFFFEF7, lr;
	s5 =	simm.s32 $0xFFFFFFFF;
	p2 =	slt.u32 s8, $0xFFFFF086  }
0x1c: {  	p1 =	slt.u32 s9, $0xF7A;
	s5 =	simm.s32 @!p2 $0x0  }
0x1d: {  	s5 =	simm.s32 @p1 $0x1;
	p0 =	seq.s32 s7, s2  }
0x1e: {  	s7 =	smul.u32 @!p0 $0xF7A, s2;
	p2 =	seq.s32 @!p0 s5, $0x0  }
0x1f: {  	s9 =	smul.u32 $0xF7A, s1;
	s8 =	simm.s32 @!p0 $0x1BF5;
	p2 =	por !p2, p0  }
0x20: {  	[sflag:s8] =	ssyncset.s32 @!p0 $0xFFFFF086;
	s6 =	sadd.s32 @!p0 s3, s7;
	s7 =	simm.s32 @!p0 $0x108  }
0x21: {  	s3 =	sadd.s32 s3, s9;
	s6 =	sadd.s32 @!p0 $0x88, s6;
	s7 =	simm.s32 @p2 $0x1082  }
0x22: {  	[simem:s7], [sflag:s8] =	dma.local @!p0 [hbm:s6], $0xF7A  }
0x23: {  	s9 =	sor.u32 $0xD0000000, s2;
	s6 =	simm.s32 $0x108;
	_ =	swait.ge @!p0 [sflag:s8], $0x0  }
0x24: {  	s3 =	sadd.s32 $0x88, s3;
	s6 =	simm.s32 @!p1 $0x1082;
	[sflag:s4] =	ssyncset.s32 $0xFFFFF086  }
0x25: {  	[simem:s6], [sflag:s4] =	dma.local [hbm:s3], $0xF7A  }
0x26: {  	[smem:$0x3F9B] =	sst s1;
	(tag) =	ssettag s2;
	_ =	strace s9  }
0x27: {  	s1 =	sld [smem:$0x3FAB]  }
0x28: {  	s2 =	sld [smem:$0x3FAC]  }
0x29: {  	s4 =	sld [smem:$0x3FAE]  }
0x2a: {  	p0 =	seq.s32 s5, $0x0;
	s5 =	sld [smem:$0x3FAF]  }
0x2b: {  	s6 =	sld [smem:$0x3FB0]  }
0x2c: {  	s7 =	sld [smem:$0x3FB1]  }
0x2d: {  	s3 =	simm.s32 $0x108;
	s8 =	sld [smem:$0x3FB2]  }
0x2e: {  	s3 =	simm.s32 @!p0 $0x1082;
	s9 =	sld [smem:$0x3FB3]  }
0x2f: {  	lr =	sadd.s32 s0, s3;
	s0 =	sld [smem:$0x3FAA]  }
0x30: {  	s3 =	sld [smem:$0x3FAD]  }
0x31: {  	[smem:$0x3FB6] =	sst s10  }
0x32: {  	s10 =	sld [smem:$0x3FB4];
	_ =	sdelay $0x3  }
0x33: {  	p0 =	seq.s32 s10, $0x1;
	s10 =	sld [smem:$0x3FB6];
	_ =	sdelay $0x3  }
0x34: {  	[smem:$0x3FB6] =	sst s10  }
0x35: {  	s10 =	sld [smem:$0x3FB5];
	_ =	sdelay $0x3  }
0x36: {  	p1 =	seq.s32 s10, $0x1;
	s10 =	sld [smem:$0x3FB6];
	_ =	sdelay $0x3  }
0x37: {  	[smem:$0x3FB6] =	sst s10  }
0x38: {  	s10 =	sld [smem:$0x3FB7]  }
0x39: {  	_ = 	snop;
	(pc) =	sbr.ind lr, $3  }
0x3a: {  	_ = 	snop  }
0x3b: {  	_ = 	snop  }
0x3c: {  	p2 =	seq.s32 s10, $0x1;
	s10 =	sld [smem:$0x3FB6]  }
0x3d: {  	_ =	shalt  }
0x3e: {  	_ =	shalt  }
0x3f: {  	_ =	shalt  }
0x40: {  	_ =	shalt  }
0x41: {  	_ =	shalt  }
0x42: {  	_ =	shalt  }
0x43: {  	_ =	shalt  }
0x44: {  	_ =	shalt  }
0x45: {  	_ =	shalt  }
0x46: {  	_ =	shalt  }
0x47: {  	_ =	shalt  }
0x48: {  	_ =	shalt  }
0x49: {  	_ =	shalt  }
0x4a: {  	_ =	shalt  }
0x4b: {  	_ =	shalt  }
0x4c: {  	_ =	shalt  }
0x4d: {  	_ =	shalt  }
0x4e: {  	_ =	shalt  }
0x4f: {  	_ =	shalt  }
0x50: {  	_ =	shalt  }
0x51: {  	_ =	shalt  }
0x52: {  	_ =	shalt  }
0x53: {  	_ =	shalt  }
0x54: {  	_ =	shalt  }
0x55: {  	_ =	shalt  }
0x56: {  	_ =	shalt  }
0x57: {  	_ =	shalt  }
0x58: {  	_ =	shalt  }
0x59: {  	_ =	shalt  }
0x5a: {  	_ =	shalt  }
0x5b: {  	_ =	shalt  }
0x5c: {  	_ =	shalt  }
0x5d: {  	_ =	shalt  }
0x5e: {  	_ =	shalt  }
0x5f: {  	_ =	shalt  }
0x60: {  	_ =	shalt  }
0x61: {  	_ =	shalt  }
0x62: {  	_ =	shalt  }
0x63: {  	_ =	shalt  }
0x64: {  	_ =	shalt  }
0x65: {  	_ =	shalt  }
0x66: {  	_ =	shalt  }
0x67: {  	_ =	shalt  }
0x68: {  	_ =	shalt  }
0x69: {  	_ =	shalt  }
0x6a: {  	_ =	shalt  }
0x6b: {  	_ =	shalt  }
0x6c: {  	_ =	shalt  }
0x6d: {  	_ =	shalt  }
0x6e: {  	_ =	shalt  }
0x6f: {  	_ =	shalt  }
0x70: {  	_ =	shalt  }
0x71: {  	_ =	shalt  }
0x72: {  	_ =	shalt  }
0x73: {  	_ =	shalt  }
0x74: {  	_ =	shalt  }
0x75: {  	_ =	shalt  }
0x76: {  	_ =	shalt  }
0x77: {  	_ =	shalt  }
0x78: {  	_ =	shalt  }
0x79: {  	_ =	shalt  }
0x7a: {  	_ =	shalt  }
0x7b: {  	_ =	shalt  }
0x7c: {  	_ =	shalt  }
0x7d: {  	_ =	shalt  }
0x7e: {  	_ =	shalt  }
0x7f: {  	_ =	shalt  }
0x80: {  	_ =	shalt  }
0x81: {  	_ =	shalt  }
0x82: {  	_ =	shalt  }
0x83: {  	_ =	shalt  }
0x84: {  	_ =	shalt  }
0x85: {  	_ =	shalt  }
0x86: {  	_ =	shalt  }
0x87: {  	_ =	shalt  }
.Lfunc_end0:
.L_simem_size_0:
called_computation_lowered:
.L_overlay_start_0:
0x88: {  	s2 =	sld [smem:$0x3FD9]  }
0x89: {  	s3 =	sld [smem:$0x3FFE];
	_ =	sdelay $0x1  }
0x8a: {  	s1 =	srdreg.scid  }
0x8b: {  	s0 =	sand.u32 $0x1, s1  }
0x8c: {  	s14 =	sshll.u32 s0, $0xA;
	s2 =	sadd.s32 s3, s2  }
0x8d: {  	s2 =	sadd.s32 s2, s14  }
0x8e: {  	[smem:$0x3FC2] =	sst s2  }
0x8f: {  	_ = 	snop  }
0x90: {  	s2 =	sld [smem:$0x3FD0];
	_ =	sdelay $0x2  }
0x91: {  	s15 =	simm.s32 $0xA;
	s4 =	simm.s32 $0x10  }
0x92: {  	[smem:s4], [sflag:s15] =	dma.local [hbm:s2], $0x1  }
0x93: {  	_ =	swait.eq [sflag:s15], $0x1  }
0x94: {  	[sflag:s15] =	ssyncset.done $0x0  }
0x95: {  	s16 =	sld [smem:$0x10];
	[sflag:s15] =	ssyncadd.s32 $0xFFFFFFFF  }
0x96: {  	s17 =	sld [smem:$0x11];
	(tm) =	ssettm $0x1  }
0x97: {  	s18 =	sld [smem:$0x3FFB];
	_ =	sdelay $0x3  }
0x98: {  	_ =	strace s18  }
0x99: {  	s4 =	sld [smem:$0x3FFC];
	_ =	sdelay $0x3  }
0x9a: {  	_ =	strace s4  }
0x9b: {  	s4 =	sld [smem:$0x3FFD];
	_ =	sdelay $0x3  }
0x9c: {  	_ =	strace s4  }
0x9d: {  	_ =	strace $0x8FFFFFFF  }
0x9e: {  	s19 =	sld [smem:$0x3FDB];
	_ =	sdelay $0x1  }
0x9f: {  	s5 =	simm.s32 $_scs_section_size  }
0xa0: {  	s6 =	simm.s32 $_size__tile_overlayer_lowered;
	s7 =	simm.s32 $_tile_overlayer_lowered  }
0xa1: {  	s22 =	simm.s32 $0x1BFF;
	s21 =	sshll.u32 s7, $0x1;
	s4 =	sadd.s32 s5, s19  }
0xa2: {  	s8 =	simm.s32 $0x0;
	s20 =	sshll.u32 s6, $0x1;
	s6 =	sadd.s32 s21, s4  }
0xa3: {  	[timem:s8], [sflag:s22] =	dma.local [hbm:s6], s20  }
0xa4: {  	_ =	swait.ge [sflag:s22], s20  }
0xa5: {  	s5 =	ssub.s32 $0x0, s20;
	[sflag:s22] =	ssyncset.done $0x0  }
0xa6: {  	[sflag:s22] =	ssyncadd.s32 s5;
	_ =	sdelay $0x1  }
0xa7: {  	s23 =	simm.s32 $0x1B8B  }
0xa8: {  	_ =	swait.ge [sflag:s23], $0x1  }
0xa9: {  	[sflag:s23] =	ssyncset.done $0x0  }
0xaa: {  	s25 =	simm.s32 $0x1B8E;
	s24 =	sld [smem:$0x3FFE];
	[sflag:s23] =	ssyncadd.s32 $0xFFFFFFFF  }
0xab: {  	s26 =	simm.s32 $execute0_lowered;
	[smem:$0x3FD2] =	sst s25  }
0xac: {  	s6 =	sshll.u32 s26, $0x1;
	_ =	strace $0x80000046;
	[dreg:$0x1] =	wrdreg $0xFFFFFFFF  }
0xad: {  	s28 =	simm.s32 $_size_execute0_lowered;
	s4 =	sadd.s32 s4, s6;
	[dreg:$0x0] =	wrdreg $0x0  }
0xae: {  	s6 =	sshll.u32 s28, $0x1;
	[dreg:$0x2] =	wrdreg s4  }
0xaf: {  	[dreg:$0x3] =	wrdreg s6  }
0xb0: {  	[dreg:$0x4] =	wrdreg $0xC0  }
0xb1: {  	_ =	task [dreg:s8], $0x5FFFF  }
0xb2: {  	[dreg:$0x1] =	wrdreg $0xFFFFFFFF  }
0xb3: {  	[dreg:$0x0] =	wrdreg $0x60  }
0xb4: {  	[dreg:$0x2] =	wrdreg s24  }
0xb5: {  	[dreg:$0x3] =	wrdreg s16  }
0xb6: {  	[dreg:$0x4] =	wrdreg s17  }
0xb7: {  	[dreg:$0x5] =	wrdreg $0x9  }
0xb8: {  	_ =	task.clear_ibuf [dreg:s8], $0x6FFFF;
	_ =	strace $0x90000046  }
0xb9: {  	s29 =	simm.s32 $0x9;
	_ =	strace $0x80000048  }
0xba: {  	_ =	swait.ge [sflag:s29], $0x1  }
0xbb: {  	[sflag:s29] =	ssyncadd.s32 $0xFFFFFFFF  }
0xbc: {  	_ =	strace $0x90000048  }
0xbd: {  	_ =	sfence  }
0xbe: {  	s30 =	sld [smem:$0x0];
	_ =	sdelay $0x2  }
0xbf: {  	s31 =	sshll.u32 s1, $0xD;
	s1 =	sshrl.u32 s1, $0x2  }
0xc0: {  	s3 =	sand.u32 $0x4000, s31;
	s1 =	sadd.s32 s1, s30  }
0xc1: {  	s0 =	sor.u32 s3, s0;
	s1 =	sshll.u32 s1, $0x11  }
0xc2: {  	s0 =	sor.u32 s1, s0  }
0xc3: {  	s0 =	sadd.s32 $0x8F2B, s0  }
0xc4: {  	[sflag:s0] =	ssyncadd.remote.s32 $0x1  }
0xc5: {  	_ =	sfence.sel $0xFFFF  }
0xc6: {  	[dreg:$0x0] =	wrdreg $0xFFFFFFFF;
	(pc) =	sbr.abs _section_cstart, $3  }
0xc7: {  	[dreg:$0x1] =	wrdreg $0xFFFFFFFF  }
0xc8: {  	_ =	task.clear_ibuf [dreg:s8], $0x2FFFF;
	_ =	strace $0x9FFFFFFF  }
0xc9: {  	(tm) =	ssettm $0x7FFFFFFF  }
tec
execute0_lowered:
.L_overlay_start_1:
0x0: {  	(tag) =	ssettag $0x1  }
0x1: {  	s8 =	rddreg [dreg:$0x0]  }
0x2: {  	s2 =	rddreg [dreg:$0x1]  }
0x3: {  	s3 =	rddreg [dreg:$0x2];
	s4 =	srdreg.scid  }
0x4: {  	s1 =	stileid.u32;
	s0 =	rddreg [dreg:$0x3];
	s13 =	simm.s32 $0x13900  }
0x5: {  	s14 =	simm.s32 $0x13D00;
	s15 =	simm.s32 $0x15100;
	s16 =	simm.s32 $0x14100  }
0x6: {  	s17 =	simm.s32 $0x80;
	s18 =	simm.s32 $0x400;
	s19 =	simm.s32 $0x0  }
0x7: {  	s6 =	sand.u32 $0x1, s4;
	s5 =	sshll.u32 s1, $0x1;
	s4 =	simm.s32 $0x0  }
0x8: {  	s29 =	sshrl.u32 s1, $0x2;
	s9 =	sor.u32 s6, s5;
	[smem:$0x7FF] =	sst s4  }
0x9: {  	s7 =	smul.u32 $0x50000, s29;
	s5 =	sadd.s32 $0xC000, s8;
	s30 =	sshll.u32 s9, $0x7  }
0xa: {  	vm1 =	vcmask $0x2F20;
	s31 =	ssub.s32 $0x2, s6;
	s6 =	sadd.s32 $0x2200, s8;
	s10 =	sand.u32 $0x380, s30  }
0xb: {  	vm2 =	vcmask $0x3F30;
	_ =	strace $0x80000047;
	s12 =	sshrl.u32 s31, $0x1;
	s7 =	sor.u32 s7, s10  }
0xc: {  	v3 =	vlaneseq.u32;
	s10 =	ssub.s32 s31, s12;
	s12 =	simm.s32 $0x13880;
	s11 =	sshrl.u32 s7, $0x3  }
0xd: {  	v1 =	vimm.f32 $0.0e+00;
	v0 =	vand.u32 $0x3, v3;
	s7 =	sadd.s32 $0xB2200, s8;
	s10 =	smax.u32 s10, $0x1;
	s11 =	sadd.s32 s11, s8  }
0xe: {  	vm0 =	vcmask $0x1F10;
	v3 =	vshrl.u32 v3, $0x2;
	v2 =	vor.u32 $0x4, v0;
	s8 =	smul.u32 $0x2710, s9;
	s9 =	sadd.s32 $0xB2400, s11;
	s11 =	simm.s32 $0x1  }
.LBB2_1:
0xf: {  	[tilespmem:s4], [sflag:$0x1] =	stream.linear.gather [hbm4b:s2+s4], $0x13880, $0x38;
	[tilespmem:$0x1F100] =	vst v63  }
0x10: {  	_ =	swait.ge [sflag:s11], $0x13880  }
0x11: {  	[sflag:s11] =	ssyncset.done $0x0  }
0x12: {  	[sflag:s11] =	ssyncadd.s32 $0xFFFEC780  }
0x13: {  	[tilespmem:s12], [sflag:$0x1] =	stream.linear.gather [hbm4b:s7+s4], $0x80, $0x38;
	[tilespmem:$0x1F100] =	vst v63  }
0x14: {  	_ =	swait.ge [sflag:s11], $0x80  }
0x15: {  	[sflag:s11] =	ssyncset.done $0x0  }
0x16: {  	s20 =	simm.s32 $0x40;
	s21 =	simm.s32 $0x0;
	[sflag:s11] =	ssyncadd.s32 $0xFFFFFF80  }
.LBB2_2:
0x17: {  	p0 =	sne.s32 s20, $0x27FC0;
	[tilespmem:s21+$0x15100] =	vst v1;
	s21 =	smov.u32 s20;
	s20 =	sadd.s32 $0x40, s20  }
.Ltmp0:
0x18: {  	(pc) =	sbr.rel @p0 .LBB2_2-.Ltmp0, $2  }
0x19: {  	_ =	sdelay $0x2  }
0x1a: {  	s21 =	sshra.s32 s21, $0x2  }
0x1b: {  	_ =	sdelay $0x2  }
0x1c: {  	[tilespmem:s21+$0x15100] =	vst v1  }
0x1d: {  	v4 =	vld.idx.msk [tilespmem:v0+s12+$0x0], $0xffff  }
0x1e: {  	v5 =	vld.idx.msk [tilespmem:v2+s12+$0x0], $0xffff;
	_ =	sdelay $0x4  }
0x1f: {  	v4 =	vadd.f32 v5, v4;
	_ =	sdelay $0x1  }
0x20: {  	v5 =	vmul.f32 $2.000000030e-01, v4  }
0x21: {  	vm3 =	vge.f32 v4, $0.0e+00  }
0x22: {  	s20 =	simm.s32 $0x0;
	s21 =	simm.s32 $0x0;
	v4 =	vsel vm3, v4, v5  }
.LBB2_4:
0x23: {  	s22 =	smul.u32 $0x3E8, s21;
	_ =	sdelay $0x1  }
0x24: {  	s22 =	sadd.s32 s8, s22  }
0x25: {  	s23 =	sshrl.u32 s22, $0x3  }
0x26: {  	s24 =	sadd.s32 s5, s23  }
0x27: {  	[tilespmem:s13], [sflag:$0x1] =	stream.linear.gather [hbm4b:s24+s20], $0x3E8, $0x38;
	[tilespmem:$0x1F100] =	vst v63  }
0x28: {  	_ =	swait.ge [sflag:s11], $0x3E8  }
0x29: {  	[sflag:s11] =	ssyncset.done $0x0  }
0x2a: {  	v5 =	vor.u32 s20, v3;
	s23 =	sadd.s32 s6, s23;
	[sflag:s11] =	ssyncadd.s32 $0xFFFFFC18  }
0x2b: {  	[tilespmem:s14], [sflag:$0x1] =	stream.linear.gather [hbm4b:s23+s20], $0x3E8, $0x38;
	[tilespmem:$0x1F100] =	vst v63  }
0x2c: {  	_ =	swait.ge [sflag:s11], $0x3E8  }
0x2d: {  	[sflag:s11] =	ssyncset.done $0x0  }
0x2e: {  	[sflag:s11] =	ssyncadd.s32 $0xFFFFFC18  }
0x2f: {  	v6 =	vld.idx.msk [tilespmem:v5+s13+$0x0], $0xffff  }
0x30: {  	v5 =	vld.idx.msk [tilespmem:v5+s14+$0x0], $0xffff;
	_ =	sdelay $0x3  }
0x31: {  	v6 =	vshll.u32 v6, $0x3  }
0x32: {  	v7 =	vshll.u32 v5, $0x3;
	v6 =	vor.u32 v0, v6  }
0x33: {  	v7 =	vor.u32 v2, v7;
	_ =	sdelay $0x3  }
0x34: {  	v6 =	vld.idx.msk [tilespmem:v6+s4+$0x0], $0xffff  }
0x35: {  	v7 =	vld.idx.msk [tilespmem:v7+s4+$0x0], $0xffff;
	_ =	sdelay $0x4  }
0x36: {  	v6 =	vadd.f32 v7, v6;
	_ =	sdelay $0x1  }
0x37: {  	v7 =	vmul.f32 $2.000000030e-01, v6  }
0x38: {  	vm3 =	vge.f32 v6, $0.0e+00  }
0x39: {  	v6 =	vsel vm3, v6, v7  }
0x3a: {  	v6 =	vsub.f32 v6, v4;
	_ =	sdelay $0x1  }
0x3b: {  	v6 =	vmul.f32 $1.442695020e+00, v6;
	_ =	sdelay $0x1  }
0x3c: {  	(erf) = vpow2.f32 v6;
	_ =	sdelay $0x4  }
0x3d: {  	v5 =	vshll.u32 v5, $0x2  }
0x3e: {  	v5 =	vor.u32 v0, v5;
	_ =	sdelay $0x2  }
0x3f: {  	s23 =	simm.s32 $0x14100;
	v6 =	vpop (erf)  }
0x40: {  	s25 =	simm.s32 $0x4;
	[tilespmem:s23+$0x0] =	vst v6  }
0x41: {  	v7 =	vor.u32 s25, v3;
	[tilespmem:v5+s15+$0x0] =	vst.idx.add.f32.msk $0xf, v6  }
0x42: {  	s24 =	simm.s32 $0x8;
	[tilespmem:v5+s15+$0x0] =	vst.idx.add.f32.msk vm0, v6  }
.LBB2_5:
0x43: {  	p0 =	sne.s32 s24, $0x3E4  }
0x44: {  	[tilespmem:v5+s15+$0x0] =	vst.idx.add.f32.msk vm1, v6;
	s23 =	sadd.s32 $0x10, s23;
	s25 =	smov.u32 s24;
	s24 =	sadd.s32 $0x4, s24  }
0x45: {  	[tilespmem:v5+s15+$0x0] =	vst.idx.add.f32.msk vm2, v6  }
0x46: {  	v5 =	vld.idx.msk [tilespmem:v7+s13+$0x0], $0xffff  }
0x47: {  	v6 =	vld.idx.msk [tilespmem:v7+s14+$0x0], $0xffff;
	_ =	sdelay $0x4  }
0x48: {  	v5 =	vshll.u32 v5, $0x3  }
0x49: {  	v5 =	vor.u32 v0, v5;
	v7 =	vshll.u32 v6, $0x3;
	v6 =	vshll.u32 v6, $0x2  }
0x4a: {  	v7 =	vor.u32 v2, v7;
	_ =	sdelay $0x3  }
0x4b: {  	v5 =	vld.idx.msk [tilespmem:v5+s4+$0x0], $0xffff  }
0x4c: {  	v7 =	vld.idx.msk [tilespmem:v7+s4+$0x0], $0xffff;
	_ =	sdelay $0x5  }
0x4d: {  	v5 =	vadd.f32 v7, v5;
	_ =	sdelay $0x1  }
0x4e: {  	vm3 =	vge.f32 v5, $0.0e+00;
	v7 =	vmul.f32 $2.000000030e-01, v5;
	_ =	sdelay $0x1  }
0x4f: {  	v5 =	vsel vm3, v5, v7  }
0x50: {  	v5 =	vsub.f32 v5, v4;
	_ =	sdelay $0x1  }
0x51: {  	v5 =	vmul.f32 $1.442695020e+00, v5;
	_ =	sdelay $0x1  }
0x52: {  	(erf) = vpow2.f32 v5;
	_ =	sdelay $0x4  }
0x53: {  	v5 =	vor.u32 v0, v6;
	_ =	sdelay $0x2  }
.Ltmp1:
0x54: {  	(pc) =	sbr.rel @p0 .LBB2_5-.Ltmp1, $4  }
0x55: {  	v6 =	vpop (erf)  }
0x56: {  	v7 =	vor.u32 s25, v3;
	[tilespmem:s23+$0x0] =	vst v6  }
0x57: {  	[tilespmem:v5+s15+$0x0] =	vst.idx.add.f32.msk $0xf, v6  }
0x58: {  	[tilespmem:v5+s15+$0x0] =	vst.idx.add.f32.msk vm0, v6  }
0x59: {  	_ =	sdelay $0x4  }
0x5a: {  	[tilespmem:v5+s15+$0x0] =	vst.idx.add.f32.msk vm1, v6  }
0x5b: {  	[tilespmem:v5+s15+$0x0] =	vst.idx.add.f32.msk vm2, v6  }
0x5c: {  	v5 =	vld.idx.msk [tilespmem:v7+s13+$0x0], $0xffff  }
0x5d: {  	v6 =	vld.idx.msk [tilespmem:v7+s14+$0x0], $0xffff;
	_ =	sdelay $0x3  }
0x5e: {  	v5 =	vshll.u32 v5, $0x3  }
0x5f: {  	v7 =	vshll.u32 v6, $0x3;
	v5 =	vor.u32 v0, v5  }
0x60: {  	v7 =	vor.u32 v2, v7;
	_ =	sdelay $0x3  }
0x61: {  	v5 =	vld.idx.msk [tilespmem:v5+s4+$0x0], $0xffff  }
0x62: {  	v7 =	vld.idx.msk [tilespmem:v7+s4+$0x0], $0xffff;
	_ =	sdelay $0x4  }
0x63: {  	v5 =	vadd.f32 v7, v5;
	_ =	sdelay $0x1  }
0x64: {  	v7 =	vmul.f32 $2.000000030e-01, v5  }
0x65: {  	vm3 =	vge.f32 v5, $0.0e+00  }
0x66: {  	v5 =	vsel vm3, v5, v7  }
0x67: {  	v5 =	vsub.f32 v5, v4;
	_ =	sdelay $0x1  }
0x68: {  	v5 =	vmul.f32 $1.442695020e+00, v5;
	_ =	sdelay $0x1  }
0x69: {  	(erf) = vpow2.f32 v5;
	_ =	sdelay $0x4  }
0x6a: {  	v5 =	vshll.u32 v6, $0x2  }
0x6b: {  	v5 =	vor.u32 v0, v5;
	_ =	sdelay $0x2  }
0x6c: {  	s23 =	sadd.s32 $0x10, s23;
	v6 =	vpop (erf)  }
0x6d: {  	[tilespmem:s23+$0x0] =	vst v6  }
0x6e: {  	[tilespmem:v5+s15+$0x0] =	vst.idx.add.f32.msk $0xf, v6  }
0x6f: {  	s21 =	sadd.s32 $0x1, s21;
	[tilespmem:v5+s15+$0x0] =	vst.idx.add.f32.msk vm0, v6  }
0x70: {  	s22 =	sshrl.u32 s22, $0x1;
	p0 =	sne.s32 s21, $0xA;
	[tilespmem:v5+s15+$0x0] =	vst.idx.add.f32.msk vm1, v6  }
.Ltmp2:
0x71: {  	s22 =	sadd.s32 s3, s22;
	[tilespmem:v5+s15+$0x0] =	vst.idx.add.f32.msk vm2, v6;
	(pc) =	sbr.rel @p0 .LBB2_4-.Ltmp2, $4  }
0x72: {  	[hbm4b:s22+s4] =	stream.linear.scatter [tilespmem:s16], [sflag:$0x1], $0xFA0, $0x38;
	[tilespmem:$0x1F100] =	vst v63  }
0x73: {  	_ =	swait.ge [sflag:s11], $0xFA0  }
0x74: {  	[sflag:s11] =	ssyncset.done $0x0  }
0x75: {  	[sflag:s11] =	ssyncadd.s32 $0xFFFFF060  }
0x76: {  	s19 =	sadd.s32 $0x1, s19  }
0x77: {  	p0 =	sne.s32 s19, s10  }
.Ltmp3:
0x78: {  	_ = 	snop;
	(pc) =	sbr.rel @p0 .LBB2_1-.Ltmp3, $4  }
0x79: {  	[hbm4b:s9+s17] =	stream.strided.scatter [tilespmem:s15], [sflag:$0x1], $0xA000, s18, s17, $0x38;
	[tilespmem:$0x1F100] =	vst v63  }
0x7a: {  	_ =	swait.ge [sflag:s11], $0xA000  }
0x7b: {  	[sflag:s11] =	ssyncset.done $0x0  }
0x7c: {  	[sflag:s11] =	ssyncadd.s32 $0xFFFF6000  }
0x7d: {  	_ =	sfence.sel $0x180000  }
0x7e: {  	[bflag:$0x0] =	sbarrier.arrive $0xFFFF  }
0x7f: {  	p0 =	sne.s32 s1, $0x0;
	_ =	strace $0x90000047  }
0x80: {  	s0 =	sadd.s32 @!p0 $0x100000, s0;
	[bflag:$0x2] =	sbarrier.arrive $0xFFFF  }
0x81: {  	[sflag:s0] =	ssyncadd.tile.s32 @!p0 $0x1;
	_ =	shalt  }
.Lfunc_end2:
_tile_overlayer_lowered:
.L_overlay_start_2:
0x82: {  	(tag) =	ssettag $0x2  }
0x83: {  	s0 =	rddreg [dreg:$0x0];
	s2 =	stileid.u32  }
0x84: {  	s1 =	rddreg [dreg:$0x1];
	p0 =	sne.s32 s2, $0x0  }
0x85: {  	s3 =	rddreg [dreg:$0x2];
	[bflag:$0x3] =	sbarrier.arrive $0xFFFF;
	s2 =	simm.s32 @!p0 $0x1C01  }
0x86: {  	[timem:s3], [sflag:s2] =	dma.local @!p0 [hbm:s0], s1  }
0x87: {  	s0 =	simm.s32 @!p0 $0x1  }
0x88: {  	_ =	swait.ge @!p0 [sflag:s0], s1  }
0x89: {  	s1 =	ssub.s32 @!p0 $0x0, s1;
	[sflag:s0] =	ssyncset.done @!p0 $0x0  }
0x8a: {  	[sflag:s0] =	ssyncadd.s32 @!p0 s1  }
0x8b: {  	[bflag:$0x3] =	sbarrier.arrive $0xFFFF  }
0x8c: {  	_ =	shalt  }

</sc_bundles>
